<compile_context>
chip_gen: v7x
topology: tpu7x:2x2x1
jax: 0.10.2.dev20260603
libtpu: 0.0.44.dev20260713+nightly
codegen_flags: <defaults>
</compile_context>

<pallas_src>
import functools

import jax
import jax.numpy as jnp
from jax import lax
from jax.experimental import pallas as pl
from jax.experimental.pallas import tpu as pltpu
from jax.experimental.pallas import tpu_sc as plsc

R, S, D = 16384, 50, 64
DP = 128
SP = 64
NC, NS = 2, 16
NW = NC * NS
R_PER_W = R // NW
SET = 4
NBUF = 2 * SET
N_GROUPS = R_PER_W // SET

_mesh = plsc.VectorSubcoreMesh(core_axis_name="c", subcore_axis_name="s")


@functools.partial(
    pl.kernel,
    mesh=_mesh,
    out_type=jax.ShapeDtypeStruct((R, S, DP), jnp.float32),
    scratch_types=(
        [pltpu.VMEM((R_PER_W * SP,), jnp.int32)]
        + [pltpu.VMEM((S, DP), jnp.float32) for _ in range(NBUF)]
        + [pltpu.SemaphoreType.DMA for _ in range(2 * NBUF)]
    ),
    compiler_params=pltpu.CompilerParams(use_tc_tiling_on_sc=True),
)
def _gather(ids_hbm, table_hbm, out_hbm, idx_v, *rest):
    rows = rest[:NBUF]
    gsem = rest[NBUF:2 * NBUF]
    osem = rest[2 * NBUF:]
    wid = lax.axis_index("s") * NC + lax.axis_index("c")
    base = wid * R_PER_W

    def g_start(b, row_i):
        offs = idx_v.at[pl.ds(row_i * SP, S)]
        pltpu.async_copy(table_hbm.at[offs], rows[b], gsem[b])

    def g_wait(b):
        offs = idx_v.at[pl.ds(0, S)]
        pltpu.make_async_copy(table_hbm.at[offs], rows[b], gsem[b]).wait()

    def o_start(b, row_i):
        pltpu.async_copy(rows[b], out_hbm.at[base + row_i], osem[b])

    def o_wait(b):
        pltpu.make_async_copy(rows[b], out_hbm.at[base], osem[b]).wait()

    pltpu.sync_copy(ids_hbm.at[pl.ds(base * SP, R_PER_W * SP)], idx_v)
    for i in range(SET):
        g_start(i, i)

    def body(g, carry):
        def recycle(tset, gather_base):
            for i in range(SET):
                b = tset * SET + i

                @pl.when(g > 0)
                def _():
                    o_wait(b)

                @pl.when(g + 1 < N_GROUPS)
                def _():
                    g_start(b, gather_base + i)

        def flush(sset, out_base):
            for i in range(SET):
                b = sset * SET + i
                g_wait(b)
                o_start(b, out_base + i)

        @pl.when(g % 2 == 0)
        def _():
            recycle(1, (g + 1) * SET)
            flush(0, g * SET)

        @pl.when(g % 2 == 1)
        def _():
            recycle(0, (g + 1) * SET)
            flush(1, g * SET)

        return carry

    lax.fori_loop(0, N_GROUPS, body, 0)
    last_set = (N_GROUPS - 1) % 2
    for i in range(SET):
        o_wait(last_set * SET + i)


def kernel(ids, emb_var):
    table = jnp.pad(emb_var, ((0, 0), (0, DP - D)))
    flat_ids = jnp.pad(ids, ((0, 0), (0, SP - S))).reshape(-1)
    out = _gather(flat_ids, table)
    return out[:, :, :D]

# --- scband reference (transcript-rebuilt; emitter-appended) ---
"""Pipeline reference for scband-embedding-20779051778587 (READ-ONLY COPY).

The authoritative reference and input builder live on the scoring server;
editing this copy changes nothing except your own understanding.
"""

import jax, jax.numpy as jnp
import numpy as np
import math

NUM_CLASSES = 1000000
INPUT_DIM = 64

def setup_inputs(seed: int = 0) -> dict:
    key = jax.random.key(seed)
    k_ids, k_emb = jax.random.split(key)
    ids = jax.random.randint(k_ids, (16384, 50), 0, NUM_CLASSES, dtype=jnp.int64 if jax.config.jax_enable_x64 else jnp.int32)
    emb_var = jax.random.normal(k_emb, (NUM_CLASSES, INPUT_DIM), dtype=jnp.float32) * (1.0 / math.sqrt(INPUT_DIM))
    return {"ids": ids, "emb_var": emb_var}

def reference(ids, emb_var):
    # lookup_style == 'index'
    embs = jnp.asarray(emb_var)[ids,]
    # set_nan_for_oob_id = False, scale_sqrt_depth = False -> no-ops
    return embs

if __name__ == "__main__":
    import jax
    _d = setup_inputs()
    print(jax.jit(kernel)(*tuple(_d.values())))

</pallas_src>

<mosaic_0001>
#map = affine_map<(d0, d1) -> (0)>
#map1 = affine_map<(d0, d1) -> (0, 0)>
#map2 = affine_map<(d0, d1) -> (0, 0, 0)>
module attributes {stable_mosaic.version = 14 : i64} {
  func.func @_gather(%arg0: i32, %arg1: i32, %arg2: memref<1048576xi32, #tpu.memory_space<hbm>>, %arg3: memref<1000000x128xf32, #tpu.memory_space<hbm>>, %arg4: memref<16384x50x128xf32, #tpu.memory_space<hbm>>, %arg5: memref<32768xi32, #tpu.memory_space<vmem>>, %arg6: memref<50x128xf32, #tpu.memory_space<vmem>>, %arg7: memref<50x128xf32, #tpu.memory_space<vmem>>, %arg8: memref<50x128xf32, #tpu.memory_space<vmem>>, %arg9: memref<50x128xf32, #tpu.memory_space<vmem>>, %arg10: memref<50x128xf32, #tpu.memory_space<vmem>>, %arg11: memref<50x128xf32, #tpu.memory_space<vmem>>, %arg12: memref<50x128xf32, #tpu.memory_space<vmem>>, %arg13: memref<50x128xf32, #tpu.memory_space<vmem>>, %arg14: memref<!tpu.dma_semaphore, #tpu.memory_space<semaphore_mem>>, %arg15: memref<!tpu.dma_semaphore, #tpu.memory_space<semaphore_mem>>, %arg16: memref<!tpu.dma_semaphore, #tpu.memory_space<semaphore_mem>>, %arg17: memref<!tpu.dma_semaphore, #tpu.memory_space<semaphore_mem>>, %arg18: memref<!tpu.dma_semaphore, #tpu.memory_space<semaphore_mem>>, %arg19: memref<!tpu.dma_semaphore, #tpu.memory_space<semaphore_mem>>, %arg20: memref<!tpu.dma_semaphore, #tpu.memory_space<semaphore_mem>>, %arg21: memref<!tpu.dma_semaphore, #tpu.memory_space<semaphore_mem>>, %arg22: memref<!tpu.dma_semaphore, #tpu.memory_space<semaphore_mem>>, %arg23: memref<!tpu.dma_semaphore, #tpu.memory_space<semaphore_mem>>, %arg24: memref<!tpu.dma_semaphore, #tpu.memory_space<semaphore_mem>>, %arg25: memref<!tpu.dma_semaphore, #tpu.memory_space<semaphore_mem>>, %arg26: memref<!tpu.dma_semaphore, #tpu.memory_space<semaphore_mem>>, %arg27: memref<!tpu.dma_semaphore, #tpu.memory_space<semaphore_mem>>, %arg28: memref<!tpu.dma_semaphore, #tpu.memory_space<semaphore_mem>>, %arg29: memref<!tpu.dma_semaphore, #tpu.memory_space<semaphore_mem>>) attributes {dimension_semantics = [#tpu.dimension_semantics<core_parallel>, #tpu.dimension_semantics<subcore_parallel>], iteration_bounds = array<i64: 2, 16>, scalar_prefetch = 0 : i64, scratch_operands = 25 : i64, tpu.core_type = #tpu.core_type<sc_vector_subcore>, window_params = [{transform_indices = #map}, {transform_indices = #map1}, {transform_indices = #map2}]} {
    %mul3A = arith.constant 2 : i32
    %mul3A_0 = arith.muli %arg1, %mul3A : i32
    %add3A = arith.addi %mul3A_0, %arg0 : i32
    %mul3A_1 = arith.constant 512 : i32
    %mul3A_2 = arith.muli %add3A, %mul3A_1 : i32
    %mul3A_3 = arith.constant 64 : i32
    %mul3A_4 = arith.muli %mul3A_2, %mul3A_3 : i32
    "tpu.region"() ({
      %run_scoped3A = tpu.sem_alloc : memref<!tpu.dma_semaphore, #tpu.memory_space<semaphore_mem>>
      %dma_start3A_60 = tpu.memref_slice %arg2[%mul3A_4] : memref<1048576xi32, #tpu.memory_space<hbm>> -> memref<32768xi32, #tpu.memory_space<hbm>>
      %dma_start3A_61 = tpu.memref_slice %arg2[%mul3A_4] : memref<1048576xi32, #tpu.memory_space<hbm>> -> memref<32768xi32, #tpu.memory_space<hbm>>
      tpu.enqueue_dma source(%dma_start3A_61 : memref<32768xi32, #tpu.memory_space<hbm>>) target(%arg5 : memref<32768xi32, #tpu.memory_space<vmem>>) target_semaphore(%run_scoped3A : memref<!tpu.dma_semaphore, #tpu.memory_space<semaphore_mem>>)
      %dma_wait3A_62 = tpu.memref_slice %arg2[%mul3A_4] : memref<1048576xi32, #tpu.memory_space<hbm>> -> memref<32768xi32, #tpu.memory_space<hbm>>
      %dma_wait3A_63 = tpu.memref_slice %arg2[%mul3A_4] : memref<1048576xi32, #tpu.memory_space<hbm>> -> memref<32768xi32, #tpu.memory_space<hbm>>
      tpu.wait_dma2 semaphore(%run_scoped3A : memref<!tpu.dma_semaphore, #tpu.memory_space<semaphore_mem>>) src(%dma_wait3A_63 : memref<32768xi32, #tpu.memory_space<hbm>>) dst(%arg5 : memref<32768xi32, #tpu.memory_space<vmem>>)
      tpu.yield
    }) : () -> ()
    %dma_start3A = arith.constant 0 : i32
    %dma_start3A_5 = tpu.memref_slice %arg5[%dma_start3A] : memref<32768xi32, #tpu.memory_space<vmem>> -> memref<50xi32, #tpu.memory_space<vmem>>
    %dma_start3A_6 = arith.constant 0 : i32
    %dma_start3A_7 = arith.constant 0 : i32
    %dma_start3A_8 = tpu.memref_slice %arg3[%dma_start3A_6, %dma_start3A_7] : memref<1000000x128xf32, #tpu.memory_space<hbm>> -> memref<1000000x128xf32, #tpu.memory_space<hbm>>
    tpu.enqueue_indirect_dma source(%dma_start3A_8 : memref<1000000x128xf32, #tpu.memory_space<hbm>>) target(%arg6 : memref<50x128xf32, #tpu.memory_space<vmem>>) offsets(%dma_start3A_5 : memref<50xi32, #tpu.memory_space<vmem>>) semaphore(%arg14 : memref<!tpu.dma_semaphore, #tpu.memory_space<semaphore_mem>>)
    %dma_start3A_9 = arith.constant 64 : i32
    %dma_start3A_10 = tpu.memref_slice %arg5[%dma_start3A_9] : memref<32768xi32, #tpu.memory_space<vmem>> -> memref<50xi32, #tpu.memory_space<vmem>>
    %dma_start3A_11 = arith.constant 0 : i32
    %dma_start3A_12 = arith.constant 0 : i32
    %dma_start3A_13 = tpu.memref_slice %arg3[%dma_start3A_11, %dma_start3A_12] : memref<1000000x128xf32, #tpu.memory_space<hbm>> -> memref<1000000x128xf32, #tpu.memory_space<hbm>>
    tpu.enqueue_indirect_dma source(%dma_start3A_13 : memref<1000000x128xf32, #tpu.memory_space<hbm>>) target(%arg7 : memref<50x128xf32, #tpu.memory_space<vmem>>) offsets(%dma_start3A_10 : memref<50xi32, #tpu.memory_space<vmem>>) semaphore(%arg15 : memref<!tpu.dma_semaphore, #tpu.memory_space<semaphore_mem>>)
    %dma_start3A_14 = arith.constant 128 : i32
    %dma_start3A_15 = tpu.memref_slice %arg5[%dma_start3A_14] : memref<32768xi32, #tpu.memory_space<vmem>> -> memref<50xi32, #tpu.memory_space<vmem>>
    %dma_start3A_16 = arith.constant 0 : i32
    %dma_start3A_17 = arith.constant 0 : i32
    %dma_start3A_18 = tpu.memref_slice %arg3[%dma_start3A_16, %dma_start3A_17] : memref<1000000x128xf32, #tpu.memory_space<hbm>> -> memref<1000000x128xf32, #tpu.memory_space<hbm>>
    tpu.enqueue_indirect_dma source(%dma_start3A_18 : memref<1000000x128xf32, #tpu.memory_space<hbm>>) target(%arg8 : memref<50x128xf32, #tpu.memory_space<vmem>>) offsets(%dma_start3A_15 : memref<50xi32, #tpu.memory_space<vmem>>) semaphore(%arg16 : memref<!tpu.dma_semaphore, #tpu.memory_space<semaphore_mem>>)
    %dma_start3A_19 = arith.constant 192 : i32
    %dma_start3A_20 = tpu.memref_slice %arg5[%dma_start3A_19] : memref<32768xi32, #tpu.memory_space<vmem>> -> memref<50xi32, #tpu.memory_space<vmem>>
    %dma_start3A_21 = arith.constant 0 : i32
    %dma_start3A_22 = arith.constant 0 : i32
    %dma_start3A_23 = tpu.memref_slice %arg3[%dma_start3A_21, %dma_start3A_22] : memref<1000000x128xf32, #tpu.memory_space<hbm>> -> memref<1000000x128xf32, #tpu.memory_space<hbm>>
    tpu.enqueue_indirect_dma source(%dma_start3A_23 : memref<1000000x128xf32, #tpu.memory_space<hbm>>) target(%arg9 : memref<50x128xf32, #tpu.memory_space<vmem>>) offsets(%dma_start3A_20 : memref<50xi32, #tpu.memory_space<vmem>>) semaphore(%arg17 : memref<!tpu.dma_semaphore, #tpu.memory_space<semaphore_mem>>)
    %scan3A = arith.constant 0 : i32
    %scan3A_24 = arith.constant 0 : i32
    %scan3A_25 = arith.constant 128 : i32
    %scan3A_26 = arith.addi %scan3A_24, %scan3A_25 : i32
    %scan3A_27 = arith.constant 1 : i32
    scf.for %scan3A_60 = %scan3A_24 to %scan3A_26 step %scan3A_27  : i32 {
      %jit3A = arith.constant 2 : i32
      %eq3A = arith.constant 0 : i32
      %eq3A_61 = arith.cmpi eq, %jit3A, %eq3A : i32
      %jit3A_62 = arith.constant 1 : i32
      %select_n3A = arith.select %eq3A_61, %jit3A_62, %jit3A : i32
      %rem3A = arith.remsi %scan3A_60, %select_n3A : i32
      %ne3A = arith.constant 0 : i32
      %ne3A_63 = arith.cmpi ne, %rem3A, %ne3A : i32
      %lt3A = arith.constant 0 : i32
      %lt3A_64 = arith.cmpi slt, %rem3A, %lt3A : i32
      %lt3A_65 = arith.constant 0 : i32
      %lt3A_66 = arith.cmpi slt, %select_n3A, %lt3A_65 : i32
      %ne3A_67 = arith.xori %lt3A_64, %lt3A_66 : i1
      %and3A = arith.andi %ne3A_67, %ne3A_63 : i1
      %add3A_68 = arith.addi %rem3A, %select_n3A : i32
      %select_n3A_69 = arith.select %and3A, %add3A_68, %rem3A : i32
      %eq3A_70 = arith.constant 0 : i32
      %eq3A_71 = arith.cmpi eq, %select_n3A_69, %eq3A_70 : i32
      %convert_element_type3A = arith.extui %eq3A_71 : i1 to i32
      %cond3A = arith.constant 0 : i32
      %cond3A_72 = arith.cmpi ne, %convert_element_type3A, %cond3A : i32
      scf.if %cond3A_72 {
        %add3A_94 = arith.constant 1 : i32
        %add3A_95 = arith.addi %scan3A_60, %add3A_94 : i32
        %mul3A_96 = arith.constant 4 : i32
        %mul3A_97 = arith.muli %add3A_95, %mul3A_96 : i32
        %gt3A = arith.constant 0 : i32
        %gt3A_98 = arith.cmpi sgt, %scan3A_60, %gt3A : i32
        %convert_element_type3A_99 = arith.extui %gt3A_98 : i1 to i32
        %cond3A_100 = arith.constant 0 : i32
        %cond3A_101 = arith.cmpi ne, %convert_element_type3A_99, %cond3A_100 : i32
        scf.if %cond3A_101 {
          %dma_wait3A_211 = arith.constant 0 : i32
          %dma_wait3A_212 = arith.constant 0 : i32
          %dma_wait3A_213 = tpu.memref_slice %arg4[%mul3A_2, %dma_wait3A_211, %dma_wait3A_212] : memref<16384x50x128xf32, #tpu.memory_space<hbm>> -> memref<1x50x128xf32, #tpu.memory_space<hbm>>
          %dma_wait3A_214 = tpu.memref_squeeze %dma_wait3A_213 : memref<1x50x128xf32, #tpu.memory_space<hbm>> -> memref<50x128xf32, #tpu.memory_space<hbm>>
          %dma_wait3A_215 = arith.constant 0 : i32
          %dma_wait3A_216 = arith.constant 0 : i32
          %dma_wait3A_217 = tpu.memref_slice %arg4[%mul3A_2, %dma_wait3A_215, %dma_wait3A_216] : memref<16384x50x128xf32, #tpu.memory_space<hbm>> -> memref<1x50x128xf32, #tpu.memory_space<hbm>>
          %dma_wait3A_218 = tpu.memref_squeeze %dma_wait3A_217 : memref<1x50x128xf32, #tpu.memory_space<hbm>> -> memref<50x128xf32, #tpu.memory_space<hbm>>
          tpu.wait_dma2 semaphore(%arg26 : memref<!tpu.dma_semaphore, #tpu.memory_space<semaphore_mem>>) src(%arg10 : memref<50x128xf32, #tpu.memory_space<vmem>>) dst(%dma_wait3A_218 : memref<50x128xf32, #tpu.memory_space<hbm>>)
        } else {
        }
        %add3A_102 = arith.constant 1 : i32
        %add3A_103 = arith.addi %scan3A_60, %add3A_102 : i32
        %lt3A_104 = arith.constant 128 : i32
        %lt3A_105 = arith.cmpi slt, %add3A_103, %lt3A_104 : i32
        %convert_element_type3A_106 = arith.extui %lt3A_105 : i1 to i32
        %cond3A_107 = arith.constant 0 : i32
        %cond3A_108 = arith.cmpi ne, %convert_element_type3A_106, %cond3A_107 : i32
        scf.if %cond3A_108 {
          %add3A_211 = arith.constant 0 : i32
          %add3A_212 = arith.addi %mul3A_97, %add3A_211 : i32
          %mul3A_213 = arith.constant 64 : i32
          %mul3A_214 = arith.muli %add3A_212, %mul3A_213 : i32
          %dma_start3A_215 = tpu.memref_slice %arg5[%mul3A_214] : memref<32768xi32, #tpu.memory_space<vmem>> -> memref<50xi32, #tpu.memory_space<vmem>>
          %dma_start3A_216 = arith.constant 0 : i32
          %dma_start3A_217 = arith.constant 0 : i32
          %dma_start3A_218 = tpu.memref_slice %arg3[%dma_start3A_216, %dma_start3A_217] : memref<1000000x128xf32, #tpu.memory_space<hbm>> -> memref<1000000x128xf32, #tpu.memory_space<hbm>>
          tpu.enqueue_indirect_dma source(%dma_start3A_218 : memref<1000000x128xf32, #tpu.memory_space<hbm>>) target(%arg10 : memref<50x128xf32, #tpu.memory_space<vmem>>) offsets(%dma_start3A_215 : memref<50xi32, #tpu.memory_space<vmem>>) semaphore(%arg18 : memref<!tpu.dma_semaphore, #tpu.memory_space<semaphore_mem>>)
        } else {
        }
        %gt3A_109 = arith.constant 0 : i32
        %gt3A_110 = arith.cmpi sgt, %scan3A_60, %gt3A_109 : i32
        %convert_element_type3A_111 = arith.extui %gt3A_110 : i1 to i32
        %cond3A_112 = arith.constant 0 : i32
        %cond3A_113 = arith.cmpi ne, %convert_element_type3A_111, %cond3A_112 : i32
        scf.if %cond3A_113 {
          %dma_wait3A_211 = arith.constant 0 : i32
          %dma_wait3A_212 = arith.constant 0 : i32
          %dma_wait3A_213 = tpu.memref_slice %arg4[%mul3A_2, %dma_wait3A_211, %dma_wait3A_212] : memref<16384x50x128xf32, #tpu.memory_space<hbm>> -> memref<1x50x128xf32, #tpu.memory_space<hbm>>
          %dma_wait3A_214 = tpu.memref_squeeze %dma_wait3A_213 : memref<1x50x128xf32, #tpu.memory_space<hbm>> -> memref<50x128xf32, #tpu.memory_space<hbm>>
          %dma_wait3A_215 = arith.constant 0 : i32
          %dma_wait3A_216 = arith.constant 0 : i32
          %dma_wait3A_217 = tpu.memref_slice %arg4[%mul3A_2, %dma_wait3A_215, %dma_wait3A_216] : memref<16384x50x128xf32, #tpu.memory_space<hbm>> -> memref<1x50x128xf32, #tpu.memory_space<hbm>>
          %dma_wait3A_218 = tpu.memref_squeeze %dma_wait3A_217 : memref<1x50x128xf32, #tpu.memory_space<hbm>> -> memref<50x128xf32, #tpu.memory_space<hbm>>
          tpu.wait_dma2 semaphore(%arg27 : memref<!tpu.dma_semaphore, #tpu.memory_space<semaphore_mem>>) src(%arg11 : memref<50x128xf32, #tpu.memory_space<vmem>>) dst(%dma_wait3A_218 : memref<50x128xf32, #tpu.memory_space<hbm>>)
        } else {
        }
        %add3A_114 = arith.constant 1 : i32
        %add3A_115 = arith.addi %scan3A_60, %add3A_114 : i32
        %lt3A_116 = arith.constant 128 : i32
        %lt3A_117 = arith.cmpi slt, %add3A_115, %lt3A_116 : i32
        %convert_element_type3A_118 = arith.extui %lt3A_117 : i1 to i32
        %cond3A_119 = arith.constant 0 : i32
        %cond3A_120 = arith.cmpi ne, %convert_element_type3A_118, %cond3A_119 : i32
        scf.if %cond3A_120 {
          %add3A_211 = arith.constant 1 : i32
          %add3A_212 = arith.addi %mul3A_97, %add3A_211 : i32
          %mul3A_213 = arith.constant 64 : i32
          %mul3A_214 = arith.muli %add3A_212, %mul3A_213 : i32
          %dma_start3A_215 = tpu.memref_slice %arg5[%mul3A_214] : memref<32768xi32, #tpu.memory_space<vmem>> -> memref<50xi32, #tpu.memory_space<vmem>>
          %dma_start3A_216 = arith.constant 0 : i32
          %dma_start3A_217 = arith.constant 0 : i32
          %dma_start3A_218 = tpu.memref_slice %arg3[%dma_start3A_216, %dma_start3A_217] : memref<1000000x128xf32, #tpu.memory_space<hbm>> -> memref<1000000x128xf32, #tpu.memory_space<hbm>>
          tpu.enqueue_indirect_dma source(%dma_start3A_218 : memref<1000000x128xf32, #tpu.memory_space<hbm>>) target(%arg11 : memref<50x128xf32, #tpu.memory_space<vmem>>) offsets(%dma_start3A_215 : memref<50xi32, #tpu.memory_space<vmem>>) semaphore(%arg19 : memref<!tpu.dma_semaphore, #tpu.memory_space<semaphore_mem>>)
        } else {
        }
        %gt3A_121 = arith.constant 0 : i32
        %gt3A_122 = arith.cmpi sgt, %scan3A_60, %gt3A_121 : i32
        %convert_element_type3A_123 = arith.extui %gt3A_122 : i1 to i32
        %cond3A_124 = arith.constant 0 : i32
        %cond3A_125 = arith.cmpi ne, %convert_element_type3A_123, %cond3A_124 : i32
        scf.if %cond3A_125 {
          %dma_wait3A_211 = arith.constant 0 : i32
          %dma_wait3A_212 = arith.constant 0 : i32
          %dma_wait3A_213 = tpu.memref_slice %arg4[%mul3A_2, %dma_wait3A_211, %dma_wait3A_212] : memref<16384x50x128xf32, #tpu.memory_space<hbm>> -> memref<1x50x128xf32, #tpu.memory_space<hbm>>
          %dma_wait3A_214 = tpu.memref_squeeze %dma_wait3A_213 : memref<1x50x128xf32, #tpu.memory_space<hbm>> -> memref<50x128xf32, #tpu.memory_space<hbm>>
          %dma_wait3A_215 = arith.constant 0 : i32
          %dma_wait3A_216 = arith.constant 0 : i32
          %dma_wait3A_217 = tpu.memref_slice %arg4[%mul3A_2, %dma_wait3A_215, %dma_wait3A_216] : memref<16384x50x128xf32, #tpu.memory_space<hbm>> -> memref<1x50x128xf32, #tpu.memory_space<hbm>>
          %dma_wait3A_218 = tpu.memref_squeeze %dma_wait3A_217 : memref<1x50x128xf32, #tpu.memory_space<hbm>> -> memref<50x128xf32, #tpu.memory_space<hbm>>
          tpu.wait_dma2 semaphore(%arg28 : memref<!tpu.dma_semaphore, #tpu.memory_space<semaphore_mem>>) src(%arg12 : memref<50x128xf32, #tpu.memory_space<vmem>>) dst(%dma_wait3A_218 : memref<50x128xf32, #tpu.memory_space<hbm>>)
        } else {
        }
        %add3A_126 = arith.constant 1 : i32
        %add3A_127 = arith.addi %scan3A_60, %add3A_126 : i32
        %lt3A_128 = arith.constant 128 : i32
        %lt3A_129 = arith.cmpi slt, %add3A_127, %lt3A_128 : i32
        %convert_element_type3A_130 = arith.extui %lt3A_129 : i1 to i32
        %cond3A_131 = arith.constant 0 : i32
        %cond3A_132 = arith.cmpi ne, %convert_element_type3A_130, %cond3A_131 : i32
        scf.if %cond3A_132 {
          %add3A_211 = arith.constant 2 : i32
          %add3A_212 = arith.addi %mul3A_97, %add3A_211 : i32
          %mul3A_213 = arith.constant 64 : i32
          %mul3A_214 = arith.muli %add3A_212, %mul3A_213 : i32
          %dma_start3A_215 = tpu.memref_slice %arg5[%mul3A_214] : memref<32768xi32, #tpu.memory_space<vmem>> -> memref<50xi32, #tpu.memory_space<vmem>>
          %dma_start3A_216 = arith.constant 0 : i32
          %dma_start3A_217 = arith.constant 0 : i32
          %dma_start3A_218 = tpu.memref_slice %arg3[%dma_start3A_216, %dma_start3A_217] : memref<1000000x128xf32, #tpu.memory_space<hbm>> -> memref<1000000x128xf32, #tpu.memory_space<hbm>>
          tpu.enqueue_indirect_dma source(%dma_start3A_218 : memref<1000000x128xf32, #tpu.memory_space<hbm>>) target(%arg12 : memref<50x128xf32, #tpu.memory_space<vmem>>) offsets(%dma_start3A_215 : memref<50xi32, #tpu.memory_space<vmem>>) semaphore(%arg20 : memref<!tpu.dma_semaphore, #tpu.memory_space<semaphore_mem>>)
        } else {
        }
        %gt3A_133 = arith.constant 0 : i32
        %gt3A_134 = arith.cmpi sgt, %scan3A_60, %gt3A_133 : i32
        %convert_element_type3A_135 = arith.extui %gt3A_134 : i1 to i32
        %cond3A_136 = arith.constant 0 : i32
        %cond3A_137 = arith.cmpi ne, %convert_element_type3A_135, %cond3A_136 : i32
        scf.if %cond3A_137 {
          %dma_wait3A_211 = arith.constant 0 : i32
          %dma_wait3A_212 = arith.constant 0 : i32
          %dma_wait3A_213 = tpu.memref_slice %arg4[%mul3A_2, %dma_wait3A_211, %dma_wait3A_212] : memref<16384x50x128xf32, #tpu.memory_space<hbm>> -> memref<1x50x128xf32, #tpu.memory_space<hbm>>
          %dma_wait3A_214 = tpu.memref_squeeze %dma_wait3A_213 : memref<1x50x128xf32, #tpu.memory_space<hbm>> -> memref<50x128xf32, #tpu.memory_space<hbm>>
          %dma_wait3A_215 = arith.constant 0 : i32
          %dma_wait3A_216 = arith.constant 0 : i32
          %dma_wait3A_217 = tpu.memref_slice %arg4[%mul3A_2, %dma_wait3A_215, %dma_wait3A_216] : memref<16384x50x128xf32, #tpu.memory_space<hbm>> -> memref<1x50x128xf32, #tpu.memory_space<hbm>>
          %dma_wait3A_218 = tpu.memref_squeeze %dma_wait3A_217 : memref<1x50x128xf32, #tpu.memory_space<hbm>> -> memref<50x128xf32, #tpu.memory_space<hbm>>
          tpu.wait_dma2 semaphore(%arg29 : memref<!tpu.dma_semaphore, #tpu.memory_space<semaphore_mem>>) src(%arg13 : memref<50x128xf32, #tpu.memory_space<vmem>>) dst(%dma_wait3A_218 : memref<50x128xf32, #tpu.memory_space<hbm>>)
        } else {
        }
        %add3A_138 = arith.constant 1 : i32
        %add3A_139 = arith.addi %scan3A_60, %add3A_138 : i32
        %lt3A_140 = arith.constant 128 : i32
        %lt3A_141 = arith.cmpi slt, %add3A_139, %lt3A_140 : i32
        %convert_element_type3A_142 = arith.extui %lt3A_141 : i1 to i32
        %cond3A_143 = arith.constant 0 : i32
        %cond3A_144 = arith.cmpi ne, %convert_element_type3A_142, %cond3A_143 : i32
        scf.if %cond3A_144 {
          %add3A_211 = arith.constant 3 : i32
          %add3A_212 = arith.addi %mul3A_97, %add3A_211 : i32
          %mul3A_213 = arith.constant 64 : i32
          %mul3A_214 = arith.muli %add3A_212, %mul3A_213 : i32
          %dma_start3A_215 = tpu.memref_slice %arg5[%mul3A_214] : memref<32768xi32, #tpu.memory_space<vmem>> -> memref<50xi32, #tpu.memory_space<vmem>>
          %dma_start3A_216 = arith.constant 0 : i32
          %dma_start3A_217 = arith.constant 0 : i32
          %dma_start3A_218 = tpu.memref_slice %arg3[%dma_start3A_216, %dma_start3A_217] : memref<1000000x128xf32, #tpu.memory_space<hbm>> -> memref<1000000x128xf32, #tpu.memory_space<hbm>>
          tpu.enqueue_indirect_dma source(%dma_start3A_218 : memref<1000000x128xf32, #tpu.memory_space<hbm>>) target(%arg13 : memref<50x128xf32, #tpu.memory_space<vmem>>) offsets(%dma_start3A_215 : memref<50xi32, #tpu.memory_space<vmem>>) semaphore(%arg21 : memref<!tpu.dma_semaphore, #tpu.memory_space<semaphore_mem>>)
        } else {
        }
        %mul3A_145 = arith.constant 4 : i32
        %mul3A_146 = arith.muli %scan3A_60, %mul3A_145 : i32
        %dma_wait3A_147 = arith.constant 0 : i32
        %dma_wait3A_148 = tpu.memref_slice %arg5[%dma_wait3A_147] : memref<32768xi32, #tpu.memory_space<vmem>> -> memref<50xi32, #tpu.memory_space<vmem>>
        %dma_wait3A_149 = arith.constant 0 : i32
        %dma_wait3A_150 = arith.constant 0 : i32
        %dma_wait3A_151 = tpu.memref_slice %arg3[%dma_wait3A_149, %dma_wait3A_150] : memref<1000000x128xf32, #tpu.memory_space<hbm>> -> memref<1000000x128xf32, #tpu.memory_space<hbm>>
        tpu.wait_indirect_dma semaphore(%arg14 : memref<!tpu.dma_semaphore, #tpu.memory_space<semaphore_mem>>) src(%dma_wait3A_151 : memref<1000000x128xf32, #tpu.memory_space<hbm>>) dst(%arg6 : memref<50x128xf32, #tpu.memory_space<vmem>>)
        %add3A_152 = arith.constant 0 : i32
        %add3A_153 = arith.addi %mul3A_146, %add3A_152 : i32
        %add3A_154 = arith.addi %mul3A_2, %add3A_153 : i32
        %dma_start3A_155 = arith.constant 0 : i32
        %dma_start3A_156 = arith.constant 0 : i32
        %dma_start3A_157 = tpu.memref_slice %arg4[%add3A_154, %dma_start3A_155, %dma_start3A_156] : memref<16384x50x128xf32, #tpu.memory_space<hbm>> -> memref<1x50x128xf32, #tpu.memory_space<hbm>>
        %dma_start3A_158 = tpu.memref_squeeze %dma_start3A_157 : memref<1x50x128xf32, #tpu.memory_space<hbm>> -> memref<50x128xf32, #tpu.memory_space<hbm>>
        %dma_start3A_159 = arith.constant 0 : i32
        %dma_start3A_160 = arith.constant 0 : i32
        %dma_start3A_161 = tpu.memref_slice %arg4[%add3A_154, %dma_start3A_159, %dma_start3A_160] : memref<16384x50x128xf32, #tpu.memory_space<hbm>> -> memref<1x50x128xf32, #tpu.memory_space<hbm>>
        %dma_start3A_162 = tpu.memref_squeeze %dma_start3A_161 : memref<1x50x128xf32, #tpu.memory_space<hbm>> -> memref<50x128xf32, #tpu.memory_space<hbm>>
        tpu.enqueue_dma source(%arg6 : memref<50x128xf32, #tpu.memory_space<vmem>>) target(%dma_start3A_162 : memref<50x128xf32, #tpu.memory_space<hbm>>) target_semaphore(%arg22 : memref<!tpu.dma_semaphore, #tpu.memory_space<semaphore_mem>>)
        %dma_wait3A_163 = arith.constant 0 : i32
        %dma_wait3A_164 = tpu.memref_slice %arg5[%dma_wait3A_163] : memref<32768xi32, #tpu.memory_space<vmem>> -> memref<50xi32, #tpu.memory_space<vmem>>
        %dma_wait3A_165 = arith.constant 0 : i32
        %dma_wait3A_166 = arith.constant 0 : i32
        %dma_wait3A_167 = tpu.memref_slice %arg3[%dma_wait3A_165, %dma_wait3A_166] : memref<1000000x128xf32, #tpu.memory_space<hbm>> -> memref<1000000x128xf32, #tpu.memory_space<hbm>>
        tpu.wait_indirect_dma semaphore(%arg15 : memref<!tpu.dma_semaphore, #tpu.memory_space<semaphore_mem>>) src(%dma_wait3A_167 : memref<1000000x128xf32, #tpu.memory_space<hbm>>) dst(%arg7 : memref<50x128xf32, #tpu.memory_space<vmem>>)
        %add3A_168 = arith.constant 1 : i32
        %add3A_169 = arith.addi %mul3A_146, %add3A_168 : i32
        %add3A_170 = arith.addi %mul3A_2, %add3A_169 : i32
        %dma_start3A_171 = arith.constant 0 : i32
        %dma_start3A_172 = arith.constant 0 : i32
        %dma_start3A_173 = tpu.memref_slice %arg4[%add3A_170, %dma_start3A_171, %dma_start3A_172] : memref<16384x50x128xf32, #tpu.memory_space<hbm>> -> memref<1x50x128xf32, #tpu.memory_space<hbm>>
        %dma_start3A_174 = tpu.memref_squeeze %dma_start3A_173 : memref<1x50x128xf32, #tpu.memory_space<hbm>> -> memref<50x128xf32, #tpu.memory_space<hbm>>
        %dma_start3A_175 = arith.constant 0 : i32
        %dma_start3A_176 = arith.constant 0 : i32
        %dma_start3A_177 = tpu.memref_slice %arg4[%add3A_170, %dma_start3A_175, %dma_start3A_176] : memref<16384x50x128xf32, #tpu.memory_space<hbm>> -> memref<1x50x128xf32, #tpu.memory_space<hbm>>
        %dma_start3A_178 = tpu.memref_squeeze %dma_start3A_177 : memref<1x50x128xf32, #tpu.memory_space<hbm>> -> memref<50x128xf32, #tpu.memory_space<hbm>>
        tpu.enqueue_dma source(%arg7 : memref<50x128xf32, #tpu.memory_space<vmem>>) target(%dma_start3A_178 : memref<50x128xf32, #tpu.memory_space<hbm>>) target_semaphore(%arg23 : memref<!tpu.dma_semaphore, #tpu.memory_space<semaphore_mem>>)
        %dma_wait3A_179 = arith.constant 0 : i32
        %dma_wait3A_180 = tpu.memref_slice %arg5[%dma_wait3A_179] : memref<32768xi32, #tpu.memory_space<vmem>> -> memref<50xi32, #tpu.memory_space<vmem>>
        %dma_wait3A_181 = arith.constant 0 : i32
        %dma_wait3A_182 = arith.constant 0 : i32
        %dma_wait3A_183 = tpu.memref_slice %arg3[%dma_wait3A_181, %dma_wait3A_182] : memref<1000000x128xf32, #tpu.memory_space<hbm>> -> memref<1000000x128xf32, #tpu.memory_space<hbm>>
        tpu.wait_indirect_dma semaphore(%arg16 : memref<!tpu.dma_semaphore, #tpu.memory_space<semaphore_mem>>) src(%dma_wait3A_183 : memref<1000000x128xf32, #tpu.memory_space<hbm>>) dst(%arg8 : memref<50x128xf32, #tpu.memory_space<vmem>>)
        %add3A_184 = arith.constant 2 : i32
        %add3A_185 = arith.addi %mul3A_146, %add3A_184 : i32
        %add3A_186 = arith.addi %mul3A_2, %add3A_185 : i32
        %dma_start3A_187 = arith.constant 0 : i32
        %dma_start3A_188 = arith.constant 0 : i32
        %dma_start3A_189 = tpu.memref_slice %arg4[%add3A_186, %dma_start3A_187, %dma_start3A_188] : memref<16384x50x128xf32, #tpu.memory_space<hbm>> -> memref<1x50x128xf32, #tpu.memory_space<hbm>>
        %dma_start3A_190 = tpu.memref_squeeze %dma_start3A_189 : memref<1x50x128xf32, #tpu.memory_space<hbm>> -> memref<50x128xf32, #tpu.memory_space<hbm>>
        %dma_start3A_191 = arith.constant 0 : i32
        %dma_start3A_192 = arith.constant 0 : i32
        %dma_start3A_193 = tpu.memref_slice %arg4[%add3A_186, %dma_start3A_191, %dma_start3A_192] : memref<16384x50x128xf32, #tpu.memory_space<hbm>> -> memref<1x50x128xf32, #tpu.memory_space<hbm>>
        %dma_start3A_194 = tpu.memref_squeeze %dma_start3A_193 : memref<1x50x128xf32, #tpu.memory_space<hbm>> -> memref<50x128xf32, #tpu.memory_space<hbm>>
        tpu.enqueue_dma source(%arg8 : memref<50x128xf32, #tpu.memory_space<vmem>>) target(%dma_start3A_194 : memref<50x128xf32, #tpu.memory_space<hbm>>) target_semaphore(%arg24 : memref<!tpu.dma_semaphore, #tpu.memory_space<semaphore_mem>>)
        %dma_wait3A_195 = arith.constant 0 : i32
        %dma_wait3A_196 = tpu.memref_slice %arg5[%dma_wait3A_195] : memref<32768xi32, #tpu.memory_space<vmem>> -> memref<50xi32, #tpu.memory_space<vmem>>
        %dma_wait3A_197 = arith.constant 0 : i32
        %dma_wait3A_198 = arith.constant 0 : i32
        %dma_wait3A_199 = tpu.memref_slice %arg3[%dma_wait3A_197, %dma_wait3A_198] : memref<1000000x128xf32, #tpu.memory_space<hbm>> -> memref<1000000x128xf32, #tpu.memory_space<hbm>>
        tpu.wait_indirect_dma semaphore(%arg17 : memref<!tpu.dma_semaphore, #tpu.memory_space<semaphore_mem>>) src(%dma_wait3A_199 : memref<1000000x128xf32, #tpu.memory_space<hbm>>) dst(%arg9 : memref<50x128xf32, #tpu.memory_space<vmem>>)
        %add3A_200 = arith.constant 3 : i32
        %add3A_201 = arith.addi %mul3A_146, %add3A_200 : i32
        %add3A_202 = arith.addi %mul3A_2, %add3A_201 : i32
        %dma_start3A_203 = arith.constant 0 : i32
        %dma_start3A_204 = arith.constant 0 : i32
        %dma_start3A_205 = tpu.memref_slice %arg4[%add3A_202, %dma_start3A_203, %dma_start3A_204] : memref<16384x50x128xf32, #tpu.memory_space<hbm>> -> memref<1x50x128xf32, #tpu.memory_space<hbm>>
        %dma_start3A_206 = tpu.memref_squeeze %dma_start3A_205 : memref<1x50x128xf32, #tpu.memory_space<hbm>> -> memref<50x128xf32, #tpu.memory_space<hbm>>
        %dma_start3A_207 = arith.constant 0 : i32
        %dma_start3A_208 = arith.constant 0 : i32
        %dma_start3A_209 = tpu.memref_slice %arg4[%add3A_202, %dma_start3A_207, %dma_start3A_208] : memref<16384x50x128xf32, #tpu.memory_space<hbm>> -> memref<1x50x128xf32, #tpu.memory_space<hbm>>
        %dma_start3A_210 = tpu.memref_squeeze %dma_start3A_209 : memref<1x50x128xf32, #tpu.memory_space<hbm>> -> memref<50x128xf32, #tpu.memory_space<hbm>>
        tpu.enqueue_dma source(%arg9 : memref<50x128xf32, #tpu.memory_space<vmem>>) target(%dma_start3A_210 : memref<50x128xf32, #tpu.memory_space<hbm>>) target_semaphore(%arg25 : memref<!tpu.dma_semaphore, #tpu.memory_space<semaphore_mem>>)
      } else {
      }
      %jit3A_73 = arith.constant 2 : i32
      %eq3A_74 = arith.constant 0 : i32
      %eq3A_75 = arith.cmpi eq, %jit3A_73, %eq3A_74 : i32
      %jit3A_76 = arith.constant 1 : i32
      %select_n3A_77 = arith.select %eq3A_75, %jit3A_76, %jit3A_73 : i32
      %rem3A_78 = arith.remsi %scan3A_60, %select_n3A_77 : i32
      %ne3A_79 = arith.constant 0 : i32
      %ne3A_80 = arith.cmpi ne, %rem3A_78, %ne3A_79 : i32
      %lt3A_81 = arith.constant 0 : i32
      %lt3A_82 = arith.cmpi slt, %rem3A_78, %lt3A_81 : i32
      %lt3A_83 = arith.constant 0 : i32
      %lt3A_84 = arith.cmpi slt, %select_n3A_77, %lt3A_83 : i32
      %ne3A_85 = arith.xori %lt3A_82, %lt3A_84 : i1
      %and3A_86 = arith.andi %ne3A_85, %ne3A_80 : i1
      %add3A_87 = arith.addi %rem3A_78, %select_n3A_77 : i32
      %select_n3A_88 = arith.select %and3A_86, %add3A_87, %rem3A_78 : i32
      %eq3A_89 = arith.constant 1 : i32
      %eq3A_90 = arith.cmpi eq, %select_n3A_88, %eq3A_89 : i32
      %convert_element_type3A_91 = arith.extui %eq3A_90 : i1 to i32
      %cond3A_92 = arith.constant 0 : i32
      %cond3A_93 = arith.cmpi ne, %convert_element_type3A_91, %cond3A_92 : i32
      scf.if %cond3A_93 {
        %add3A_94 = arith.constant 1 : i32
        %add3A_95 = arith.addi %scan3A_60, %add3A_94 : i32
        %mul3A_96 = arith.constant 4 : i32
        %mul3A_97 = arith.muli %add3A_95, %mul3A_96 : i32
        %gt3A = arith.constant 0 : i32
        %gt3A_98 = arith.cmpi sgt, %scan3A_60, %gt3A : i32
        %convert_element_type3A_99 = arith.extui %gt3A_98 : i1 to i32
        %cond3A_100 = arith.constant 0 : i32
        %cond3A_101 = arith.cmpi ne, %convert_element_type3A_99, %cond3A_100 : i32
        scf.if %cond3A_101 {
          %dma_wait3A_211 = arith.constant 0 : i32
          %dma_wait3A_212 = arith.constant 0 : i32
          %dma_wait3A_213 = tpu.memref_slice %arg4[%mul3A_2, %dma_wait3A_211, %dma_wait3A_212] : memref<16384x50x128xf32, #tpu.memory_space<hbm>> -> memref<1x50x128xf32, #tpu.memory_space<hbm>>
          %dma_wait3A_214 = tpu.memref_squeeze %dma_wait3A_213 : memref<1x50x128xf32, #tpu.memory_space<hbm>> -> memref<50x128xf32, #tpu.memory_space<hbm>>
          %dma_wait3A_215 = arith.constant 0 : i32
          %dma_wait3A_216 = arith.constant 0 : i32
          %dma_wait3A_217 = tpu.memref_slice %arg4[%mul3A_2, %dma_wait3A_215, %dma_wait3A_216] : memref<16384x50x128xf32, #tpu.memory_space<hbm>> -> memref<1x50x128xf32, #tpu.memory_space<hbm>>
          %dma_wait3A_218 = tpu.memref_squeeze %dma_wait3A_217 : memref<1x50x128xf32, #tpu.memory_space<hbm>> -> memref<50x128xf32, #tpu.memory_space<hbm>>
          tpu.wait_dma2 semaphore(%arg22 : memref<!tpu.dma_semaphore, #tpu.memory_space<semaphore_mem>>) src(%arg6 : memref<50x128xf32, #tpu.memory_space<vmem>>) dst(%dma_wait3A_218 : memref<50x128xf32, #tpu.memory_space<hbm>>)
        } else {
        }
        %add3A_102 = arith.constant 1 : i32
        %add3A_103 = arith.addi %scan3A_60, %add3A_102 : i32
        %lt3A_104 = arith.constant 128 : i32
        %lt3A_105 = arith.cmpi slt, %add3A_103, %lt3A_104 : i32
        %convert_element_type3A_106 = arith.extui %lt3A_105 : i1 to i32
        %cond3A_107 = arith.constant 0 : i32
        %cond3A_108 = arith.cmpi ne, %convert_element_type3A_106, %cond3A_107 : i32
        scf.if %cond3A_108 {
          %add3A_211 = arith.constant 0 : i32
          %add3A_212 = arith.addi %mul3A_97, %add3A_211 : i32
          %mul3A_213 = arith.constant 64 : i32
          %mul3A_214 = arith.muli %add3A_212, %mul3A_213 : i32
          %dma_start3A_215 = tpu.memref_slice %arg5[%mul3A_214] : memref<32768xi32, #tpu.memory_space<vmem>> -> memref<50xi32, #tpu.memory_space<vmem>>
          %dma_start3A_216 = arith.constant 0 : i32
          %dma_start3A_217 = arith.constant 0 : i32
          %dma_start3A_218 = tpu.memref_slice %arg3[%dma_start3A_216, %dma_start3A_217] : memref<1000000x128xf32, #tpu.memory_space<hbm>> -> memref<1000000x128xf32, #tpu.memory_space<hbm>>
          tpu.enqueue_indirect_dma source(%dma_start3A_218 : memref<1000000x128xf32, #tpu.memory_space<hbm>>) target(%arg6 : memref<50x128xf32, #tpu.memory_space<vmem>>) offsets(%dma_start3A_215 : memref<50xi32, #tpu.memory_space<vmem>>) semaphore(%arg14 : memref<!tpu.dma_semaphore, #tpu.memory_space<semaphore_mem>>)
        } else {
        }
        %gt3A_109 = arith.constant 0 : i32
        %gt3A_110 = arith.cmpi sgt, %scan3A_60, %gt3A_109 : i32
        %convert_element_type3A_111 = arith.extui %gt3A_110 : i1 to i32
        %cond3A_112 = arith.constant 0 : i32
        %cond3A_113 = arith.cmpi ne, %convert_element_type3A_111, %cond3A_112 : i32
        scf.if %cond3A_113 {
          %dma_wait3A_211 = arith.constant 0 : i32
          %dma_wait3A_212 = arith.constant 0 : i32
          %dma_wait3A_213 = tpu.memref_slice %arg4[%mul3A_2, %dma_wait3A_211, %dma_wait3A_212] : memref<16384x50x128xf32, #tpu.memory_space<hbm>> -> memref<1x50x128xf32, #tpu.memory_space<hbm>>
          %dma_wait3A_214 = tpu.memref_squeeze %dma_wait3A_213 : memref<1x50x128xf32, #tpu.memory_space<hbm>> -> memref<50x128xf32, #tpu.memory_space<hbm>>
          %dma_wait3A_215 = arith.constant 0 : i32
          %dma_wait3A_216 = arith.constant 0 : i32
          %dma_wait3A_217 = tpu.memref_slice %arg4[%mul3A_2, %dma_wait3A_215, %dma_wait3A_216] : memref<16384x50x128xf32, #tpu.memory_space<hbm>> -> memref<1x50x128xf32, #tpu.memory_space<hbm>>
          %dma_wait3A_218 = tpu.memref_squeeze %dma_wait3A_217 : memref<1x50x128xf32, #tpu.memory_space<hbm>> -> memref<50x128xf32, #tpu.memory_space<hbm>>
          tpu.wait_dma2 semaphore(%arg23 : memref<!tpu.dma_semaphore, #tpu.memory_space<semaphore_mem>>) src(%arg7 : memref<50x128xf32, #tpu.memory_space<vmem>>) dst(%dma_wait3A_218 : memref<50x128xf32, #tpu.memory_space<hbm>>)
        } else {
        }
        %add3A_114 = arith.constant 1 : i32
        %add3A_115 = arith.addi %scan3A_60, %add3A_114 : i32
        %lt3A_116 = arith.constant 128 : i32
        %lt3A_117 = arith.cmpi slt, %add3A_115, %lt3A_116 : i32
        %convert_element_type3A_118 = arith.extui %lt3A_117 : i1 to i32
        %cond3A_119 = arith.constant 0 : i32
        %cond3A_120 = arith.cmpi ne, %convert_element_type3A_118, %cond3A_119 : i32
        scf.if %cond3A_120 {
          %add3A_211 = arith.constant 1 : i32
          %add3A_212 = arith.addi %mul3A_97, %add3A_211 : i32
          %mul3A_213 = arith.constant 64 : i32
          %mul3A_214 = arith.muli %add3A_212, %mul3A_213 : i32
          %dma_start3A_215 = tpu.memref_slice %arg5[%mul3A_214] : memref<32768xi32, #tpu.memory_space<vmem>> -> memref<50xi32, #tpu.memory_space<vmem>>
          %dma_start3A_216 = arith.constant 0 : i32
          %dma_start3A_217 = arith.constant 0 : i32
          %dma_start3A_218 = tpu.memref_slice %arg3[%dma_start3A_216, %dma_start3A_217] : memref<1000000x128xf32, #tpu.memory_space<hbm>> -> memref<1000000x128xf32, #tpu.memory_space<hbm>>
          tpu.enqueue_indirect_dma source(%dma_start3A_218 : memref<1000000x128xf32, #tpu.memory_space<hbm>>) target(%arg7 : memref<50x128xf32, #tpu.memory_space<vmem>>) offsets(%dma_start3A_215 : memref<50xi32, #tpu.memory_space<vmem>>) semaphore(%arg15 : memref<!tpu.dma_semaphore, #tpu.memory_space<semaphore_mem>>)
        } else {
        }
        %gt3A_121 = arith.constant 0 : i32
        %gt3A_122 = arith.cmpi sgt, %scan3A_60, %gt3A_121 : i32
        %convert_element_type3A_123 = arith.extui %gt3A_122 : i1 to i32
        %cond3A_124 = arith.constant 0 : i32
        %cond3A_125 = arith.cmpi ne, %convert_element_type3A_123, %cond3A_124 : i32
        scf.if %cond3A_125 {
          %dma_wait3A_211 = arith.constant 0 : i32
          %dma_wait3A_212 = arith.constant 0 : i32
          %dma_wait3A_213 = tpu.memref_slice %arg4[%mul3A_2, %dma_wait3A_211, %dma_wait3A_212] : memref<16384x50x128xf32, #tpu.memory_space<hbm>> -> memref<1x50x128xf32, #tpu.memory_space<hbm>>
          %dma_wait3A_214 = tpu.memref_squeeze %dma_wait3A_213 : memref<1x50x128xf32, #tpu.memory_space<hbm>> -> memref<50x128xf32, #tpu.memory_space<hbm>>
          %dma_wait3A_215 = arith.constant 0 : i32
          %dma_wait3A_216 = arith.constant 0 : i32
          %dma_wait3A_217 = tpu.memref_slice %arg4[%mul3A_2, %dma_wait3A_215, %dma_wait3A_216] : memref<16384x50x128xf32, #tpu.memory_space<hbm>> -> memref<1x50x128xf32, #tpu.memory_space<hbm>>
          %dma_wait3A_218 = tpu.memref_squeeze %dma_wait3A_217 : memref<1x50x128xf32, #tpu.memory_space<hbm>> -> memref<50x128xf32, #tpu.memory_space<hbm>>
          tpu.wait_dma2 semaphore(%arg24 : memref<!tpu.dma_semaphore, #tpu.memory_space<semaphore_mem>>) src(%arg8 : memref<50x128xf32, #tpu.memory_space<vmem>>) dst(%dma_wait3A_218 : memref<50x128xf32, #tpu.memory_space<hbm>>)
        } else {
        }
        %add3A_126 = arith.constant 1 : i32
        %add3A_127 = arith.addi %scan3A_60, %add3A_126 : i32
        %lt3A_128 = arith.constant 128 : i32
        %lt3A_129 = arith.cmpi slt, %add3A_127, %lt3A_128 : i32
        %convert_element_type3A_130 = arith.extui %lt3A_129 : i1 to i32
        %cond3A_131 = arith.constant 0 : i32
        %cond3A_132 = arith.cmpi ne, %convert_element_type3A_130, %cond3A_131 : i32
        scf.if %cond3A_132 {
          %add3A_211 = arith.constant 2 : i32
          %add3A_212 = arith.addi %mul3A_97, %add3A_211 : i32
          %mul3A_213 = arith.constant 64 : i32
          %mul3A_214 = arith.muli %add3A_212, %mul3A_213 : i32
          %dma_start3A_215 = tpu.memref_slice %arg5[%mul3A_214] : memref<32768xi32, #tpu.memory_space<vmem>> -> memref<50xi32, #tpu.memory_space<vmem>>
          %dma_start3A_216 = arith.constant 0 : i32
          %dma_start3A_217 = arith.constant 0 : i32
          %dma_start3A_218 = tpu.memref_slice %arg3[%dma_start3A_216, %dma_start3A_217] : memref<1000000x128xf32, #tpu.memory_space<hbm>> -> memref<1000000x128xf32, #tpu.memory_space<hbm>>
          tpu.enqueue_indirect_dma source(%dma_start3A_218 : memref<1000000x128xf32, #tpu.memory_space<hbm>>) target(%arg8 : memref<50x128xf32, #tpu.memory_space<vmem>>) offsets(%dma_start3A_215 : memref<50xi32, #tpu.memory_space<vmem>>) semaphore(%arg16 : memref<!tpu.dma_semaphore, #tpu.memory_space<semaphore_mem>>)
        } else {
        }
        %gt3A_133 = arith.constant 0 : i32
        %gt3A_134 = arith.cmpi sgt, %scan3A_60, %gt3A_133 : i32
        %convert_element_type3A_135 = arith.extui %gt3A_134 : i1 to i32
        %cond3A_136 = arith.constant 0 : i32
        %cond3A_137 = arith.cmpi ne, %convert_element_type3A_135, %cond3A_136 : i32
        scf.if %cond3A_137 {
          %dma_wait3A_211 = arith.constant 0 : i32
          %dma_wait3A_212 = arith.constant 0 : i32
          %dma_wait3A_213 = tpu.memref_slice %arg4[%mul3A_2, %dma_wait3A_211, %dma_wait3A_212] : memref<16384x50x128xf32, #tpu.memory_space<hbm>> -> memref<1x50x128xf32, #tpu.memory_space<hbm>>
          %dma_wait3A_214 = tpu.memref_squeeze %dma_wait3A_213 : memref<1x50x128xf32, #tpu.memory_space<hbm>> -> memref<50x128xf32, #tpu.memory_space<hbm>>
          %dma_wait3A_215 = arith.constant 0 : i32
          %dma_wait3A_216 = arith.constant 0 : i32
          %dma_wait3A_217 = tpu.memref_slice %arg4[%mul3A_2, %dma_wait3A_215, %dma_wait3A_216] : memref<16384x50x128xf32, #tpu.memory_space<hbm>> -> memref<1x50x128xf32, #tpu.memory_space<hbm>>
          %dma_wait3A_218 = tpu.memref_squeeze %dma_wait3A_217 : memref<1x50x128xf32, #tpu.memory_space<hbm>> -> memref<50x128xf32, #tpu.memory_space<hbm>>
          tpu.wait_dma2 semaphore(%arg25 : memref<!tpu.dma_semaphore, #tpu.memory_space<semaphore_mem>>) src(%arg9 : memref<50x128xf32, #tpu.memory_space<vmem>>) dst(%dma_wait3A_218 : memref<50x128xf32, #tpu.memory_space<hbm>>)
        } else {
        }
        %add3A_138 = arith.constant 1 : i32
        %add3A_139 = arith.addi %scan3A_60, %add3A_138 : i32
        %lt3A_140 = arith.constant 128 : i32
        %lt3A_141 = arith.cmpi slt, %add3A_139, %lt3A_140 : i32
        %convert_element_type3A_142 = arith.extui %lt3A_141 : i1 to i32
        %cond3A_143 = arith.constant 0 : i32
        %cond3A_144 = arith.cmpi ne, %convert_element_type3A_142, %cond3A_143 : i32
        scf.if %cond3A_144 {
          %add3A_211 = arith.constant 3 : i32
          %add3A_212 = arith.addi %mul3A_97, %add3A_211 : i32
          %mul3A_213 = arith.constant 64 : i32
          %mul3A_214 = arith.muli %add3A_212, %mul3A_213 : i32
          %dma_start3A_215 = tpu.memref_slice %arg5[%mul3A_214] : memref<32768xi32, #tpu.memory_space<vmem>> -> memref<50xi32, #tpu.memory_space<vmem>>
          %dma_start3A_216 = arith.constant 0 : i32
          %dma_start3A_217 = arith.constant 0 : i32
          %dma_start3A_218 = tpu.memref_slice %arg3[%dma_start3A_216, %dma_start3A_217] : memref<1000000x128xf32, #tpu.memory_space<hbm>> -> memref<1000000x128xf32, #tpu.memory_space<hbm>>
          tpu.enqueue_indirect_dma source(%dma_start3A_218 : memref<1000000x128xf32, #tpu.memory_space<hbm>>) target(%arg9 : memref<50x128xf32, #tpu.memory_space<vmem>>) offsets(%dma_start3A_215 : memref<50xi32, #tpu.memory_space<vmem>>) semaphore(%arg17 : memref<!tpu.dma_semaphore, #tpu.memory_space<semaphore_mem>>)
        } else {
        }
        %mul3A_145 = arith.constant 4 : i32
        %mul3A_146 = arith.muli %scan3A_60, %mul3A_145 : i32
        %dma_wait3A_147 = arith.constant 0 : i32
        %dma_wait3A_148 = tpu.memref_slice %arg5[%dma_wait3A_147] : memref<32768xi32, #tpu.memory_space<vmem>> -> memref<50xi32, #tpu.memory_space<vmem>>
        %dma_wait3A_149 = arith.constant 0 : i32
        %dma_wait3A_150 = arith.constant 0 : i32
        %dma_wait3A_151 = tpu.memref_slice %arg3[%dma_wait3A_149, %dma_wait3A_150] : memref<1000000x128xf32, #tpu.memory_space<hbm>> -> memref<1000000x128xf32, #tpu.memory_space<hbm>>
        tpu.wait_indirect_dma semaphore(%arg18 : memref<!tpu.dma_semaphore, #tpu.memory_space<semaphore_mem>>) src(%dma_wait3A_151 : memref<1000000x128xf32, #tpu.memory_space<hbm>>) dst(%arg10 : memref<50x128xf32, #tpu.memory_space<vmem>>)
        %add3A_152 = arith.constant 0 : i32
        %add3A_153 = arith.addi %mul3A_146, %add3A_152 : i32
        %add3A_154 = arith.addi %mul3A_2, %add3A_153 : i32
        %dma_start3A_155 = arith.constant 0 : i32
        %dma_start3A_156 = arith.constant 0 : i32
        %dma_start3A_157 = tpu.memref_slice %arg4[%add3A_154, %dma_start3A_155, %dma_start3A_156] : memref<16384x50x128xf32, #tpu.memory_space<hbm>> -> memref<1x50x128xf32, #tpu.memory_space<hbm>>
        %dma_start3A_158 = tpu.memref_squeeze %dma_start3A_157 : memref<1x50x128xf32, #tpu.memory_space<hbm>> -> memref<50x128xf32, #tpu.memory_space<hbm>>
        %dma_start3A_159 = arith.constant 0 : i32
        %dma_start3A_160 = arith.constant 0 : i32
        %dma_start3A_161 = tpu.memref_slice %arg4[%add3A_154, %dma_start3A_159, %dma_start3A_160] : memref<16384x50x128xf32, #tpu.memory_space<hbm>> -> memref<1x50x128xf32, #tpu.memory_space<hbm>>
        %dma_start3A_162 = tpu.memref_squeeze %dma_start3A_161 : memref<1x50x128xf32, #tpu.memory_space<hbm>> -> memref<50x128xf32, #tpu.memory_space<hbm>>
        tpu.enqueue_dma source(%arg10 : memref<50x128xf32, #tpu.memory_space<vmem>>) target(%dma_start3A_162 : memref<50x128xf32, #tpu.memory_space<hbm>>) target_semaphore(%arg26 : memref<!tpu.dma_semaphore, #tpu.memory_space<semaphore_mem>>)
        %dma_wait3A_163 = arith.constant 0 : i32
        %dma_wait3A_164 = tpu.memref_slice %arg5[%dma_wait3A_163] : memref<32768xi32, #tpu.memory_space<vmem>> -> memref<50xi32, #tpu.memory_space<vmem>>
        %dma_wait3A_165 = arith.constant 0 : i32
        %dma_wait3A_166 = arith.constant 0 : i32
        %dma_wait3A_167 = tpu.memref_slice %arg3[%dma_wait3A_165, %dma_wait3A_166] : memref<1000000x128xf32, #tpu.memory_space<hbm>> -> memref<1000000x128xf32, #tpu.memory_space<hbm>>
        tpu.wait_indirect_dma semaphore(%arg19 : memref<!tpu.dma_semaphore, #tpu.memory_space<semaphore_mem>>) src(%dma_wait3A_167 : memref<1000000x128xf32, #tpu.memory_space<hbm>>) dst(%arg11 : memref<50x128xf32, #tpu.memory_space<vmem>>)
        %add3A_168 = arith.constant 1 : i32
        %add3A_169 = arith.addi %mul3A_146, %add3A_168 : i32
        %add3A_170 = arith.addi %mul3A_2, %add3A_169 : i32
        %dma_start3A_171 = arith.constant 0 : i32
        %dma_start3A_172 = arith.constant 0 : i32
        %dma_start3A_173 = tpu.memref_slice %arg4[%add3A_170, %dma_start3A_171, %dma_start3A_172] : memref<16384x50x128xf32, #tpu.memory_space<hbm>> -> memref<1x50x128xf32, #tpu.memory_space<hbm>>
        %dma_start3A_174 = tpu.memref_squeeze %dma_start3A_173 : memref<1x50x128xf32, #tpu.memory_space<hbm>> -> memref<50x128xf32, #tpu.memory_space<hbm>>
        %dma_start3A_175 = arith.constant 0 : i32
        %dma_start3A_176 = arith.constant 0 : i32
        %dma_start3A_177 = tpu.memref_slice %arg4[%add3A_170, %dma_start3A_175, %dma_start3A_176] : memref<16384x50x128xf32, #tpu.memory_space<hbm>> -> memref<1x50x128xf32, #tpu.memory_space<hbm>>
        %dma_start3A_178 = tpu.memref_squeeze %dma_start3A_177 : memref<1x50x128xf32, #tpu.memory_space<hbm>> -> memref<50x128xf32, #tpu.memory_space<hbm>>
        tpu.enqueue_dma source(%arg11 : memref<50x128xf32, #tpu.memory_space<vmem>>) target(%dma_start3A_178 : memref<50x128xf32, #tpu.memory_space<hbm>>) target_semaphore(%arg27 : memref<!tpu.dma_semaphore, #tpu.memory_space<semaphore_mem>>)
        %dma_wait3A_179 = arith.constant 0 : i32
        %dma_wait3A_180 = tpu.memref_slice %arg5[%dma_wait3A_179] : memref<32768xi32, #tpu.memory_space<vmem>> -> memref<50xi32, #tpu.memory_space<vmem>>
        %dma_wait3A_181 = arith.constant 0 : i32
        %dma_wait3A_182 = arith.constant 0 : i32
        %dma_wait3A_183 = tpu.memref_slice %arg3[%dma_wait3A_181, %dma_wait3A_182] : memref<1000000x128xf32, #tpu.memory_space<hbm>> -> memref<1000000x128xf32, #tpu.memory_space<hbm>>
        tpu.wait_indirect_dma semaphore(%arg20 : memref<!tpu.dma_semaphore, #tpu.memory_space<semaphore_mem>>) src(%dma_wait3A_183 : memref<1000000x128xf32, #tpu.memory_space<hbm>>) dst(%arg12 : memref<50x128xf32, #tpu.memory_space<vmem>>)
        %add3A_184 = arith.constant 2 : i32
        %add3A_185 = arith.addi %mul3A_146, %add3A_184 : i32
        %add3A_186 = arith.addi %mul3A_2, %add3A_185 : i32
        %dma_start3A_187 = arith.constant 0 : i32
        %dma_start3A_188 = arith.constant 0 : i32
        %dma_start3A_189 = tpu.memref_slice %arg4[%add3A_186, %dma_start3A_187, %dma_start3A_188] : memref<16384x50x128xf32, #tpu.memory_space<hbm>> -> memref<1x50x128xf32, #tpu.memory_space<hbm>>
        %dma_start3A_190 = tpu.memref_squeeze %dma_start3A_189 : memref<1x50x128xf32, #tpu.memory_space<hbm>> -> memref<50x128xf32, #tpu.memory_space<hbm>>
        %dma_start3A_191 = arith.constant 0 : i32
        %dma_start3A_192 = arith.constant 0 : i32
        %dma_start3A_193 = tpu.memref_slice %arg4[%add3A_186, %dma_start3A_191, %dma_start3A_192] : memref<16384x50x128xf32, #tpu.memory_space<hbm>> -> memref<1x50x128xf32, #tpu.memory_space<hbm>>
        %dma_start3A_194 = tpu.memref_squeeze %dma_start3A_193 : memref<1x50x128xf32, #tpu.memory_space<hbm>> -> memref<50x128xf32, #tpu.memory_space<hbm>>
        tpu.enqueue_dma source(%arg12 : memref<50x128xf32, #tpu.memory_space<vmem>>) target(%dma_start3A_194 : memref<50x128xf32, #tpu.memory_space<hbm>>) target_semaphore(%arg28 : memref<!tpu.dma_semaphore, #tpu.memory_space<semaphore_mem>>)
        %dma_wait3A_195 = arith.constant 0 : i32
        %dma_wait3A_196 = tpu.memref_slice %arg5[%dma_wait3A_195] : memref<32768xi32, #tpu.memory_space<vmem>> -> memref<50xi32, #tpu.memory_space<vmem>>
        %dma_wait3A_197 = arith.constant 0 : i32
        %dma_wait3A_198 = arith.constant 0 : i32
        %dma_wait3A_199 = tpu.memref_slice %arg3[%dma_wait3A_197, %dma_wait3A_198] : memref<1000000x128xf32, #tpu.memory_space<hbm>> -> memref<1000000x128xf32, #tpu.memory_space<hbm>>
        tpu.wait_indirect_dma semaphore(%arg21 : memref<!tpu.dma_semaphore, #tpu.memory_space<semaphore_mem>>) src(%dma_wait3A_199 : memref<1000000x128xf32, #tpu.memory_space<hbm>>) dst(%arg13 : memref<50x128xf32, #tpu.memory_space<vmem>>)
        %add3A_200 = arith.constant 3 : i32
        %add3A_201 = arith.addi %mul3A_146, %add3A_200 : i32
        %add3A_202 = arith.addi %mul3A_2, %add3A_201 : i32
        %dma_start3A_203 = arith.constant 0 : i32
        %dma_start3A_204 = arith.constant 0 : i32
        %dma_start3A_205 = tpu.memref_slice %arg4[%add3A_202, %dma_start3A_203, %dma_start3A_204] : memref<16384x50x128xf32, #tpu.memory_space<hbm>> -> memref<1x50x128xf32, #tpu.memory_space<hbm>>
        %dma_start3A_206 = tpu.memref_squeeze %dma_start3A_205 : memref<1x50x128xf32, #tpu.memory_space<hbm>> -> memref<50x128xf32, #tpu.memory_space<hbm>>
        %dma_start3A_207 = arith.constant 0 : i32
        %dma_start3A_208 = arith.constant 0 : i32
        %dma_start3A_209 = tpu.memref_slice %arg4[%add3A_202, %dma_start3A_207, %dma_start3A_208] : memref<16384x50x128xf32, #tpu.memory_space<hbm>> -> memref<1x50x128xf32, #tpu.memory_space<hbm>>
        %dma_start3A_210 = tpu.memref_squeeze %dma_start3A_209 : memref<1x50x128xf32, #tpu.memory_space<hbm>> -> memref<50x128xf32, #tpu.memory_space<hbm>>
        tpu.enqueue_dma source(%arg13 : memref<50x128xf32, #tpu.memory_space<vmem>>) target(%dma_start3A_210 : memref<50x128xf32, #tpu.memory_space<hbm>>) target_semaphore(%arg29 : memref<!tpu.dma_semaphore, #tpu.memory_space<semaphore_mem>>)
      } else {
      }
    }
    %scan3A_28 = arith.constant 128 : i32
    %dma_wait3A = arith.constant 0 : i32
    %dma_wait3A_29 = arith.constant 0 : i32
    %dma_wait3A_30 = tpu.memref_slice %arg4[%mul3A_2, %dma_wait3A, %dma_wait3A_29] : memref<16384x50x128xf32, #tpu.memory_space<hbm>> -> memref<1x50x128xf32, #tpu.memory_space<hbm>>
    %dma_wait3A_31 = tpu.memref_squeeze %dma_wait3A_30 : memref<1x50x128xf32, #tpu.memory_space<hbm>> -> memref<50x128xf32, #tpu.memory_space<hbm>>
    %dma_wait3A_32 = arith.constant 0 : i32
    %dma_wait3A_33 = arith.constant 0 : i32
    %dma_wait3A_34 = tpu.memref_slice %arg4[%mul3A_2, %dma_wait3A_32, %dma_wait3A_33] : memref<16384x50x128xf32, #tpu.memory_space<hbm>> -> memref<1x50x128xf32, #tpu.memory_space<hbm>>
    %dma_wait3A_35 = tpu.memref_squeeze %dma_wait3A_34 : memref<1x50x128xf32, #tpu.memory_space<hbm>> -> memref<50x128xf32, #tpu.memory_space<hbm>>
    tpu.wait_dma2 semaphore(%arg26 : memref<!tpu.dma_semaphore, #tpu.memory_space<semaphore_mem>>) src(%arg10 : memref<50x128xf32, #tpu.memory_space<vmem>>) dst(%dma_wait3A_35 : memref<50x128xf32, #tpu.memory_space<hbm>>)
    %dma_wait3A_36 = arith.constant 0 : i32
    %dma_wait3A_37 = arith.constant 0 : i32
    %dma_wait3A_38 = tpu.memref_slice %arg4[%mul3A_2, %dma_wait3A_36, %dma_wait3A_37] : memref<16384x50x128xf32, #tpu.memory_space<hbm>> -> memref<1x50x128xf32, #tpu.memory_space<hbm>>
    %dma_wait3A_39 = tpu.memref_squeeze %dma_wait3A_38 : memref<1x50x128xf32, #tpu.memory_space<hbm>> -> memref<50x128xf32, #tpu.memory_space<hbm>>
    %dma_wait3A_40 = arith.constant 0 : i32
    %dma_wait3A_41 = arith.constant 0 : i32
    %dma_wait3A_42 = tpu.memref_slice %arg4[%mul3A_2, %dma_wait3A_40, %dma_wait3A_41] : memref<16384x50x128xf32, #tpu.memory_space<hbm>> -> memref<1x50x128xf32, #tpu.memory_space<hbm>>
    %dma_wait3A_43 = tpu.memref_squeeze %dma_wait3A_42 : memref<1x50x128xf32, #tpu.memory_space<hbm>> -> memref<50x128xf32, #tpu.memory_space<hbm>>
    tpu.wait_dma2 semaphore(%arg27 : memref<!tpu.dma_semaphore, #tpu.memory_space<semaphore_mem>>) src(%arg11 : memref<50x128xf32, #tpu.memory_space<vmem>>) dst(%dma_wait3A_43 : memref<50x128xf32, #tpu.memory_space<hbm>>)
    %dma_wait3A_44 = arith.constant 0 : i32
    %dma_wait3A_45 = arith.constant 0 : i32
    %dma_wait3A_46 = tpu.memref_slice %arg4[%mul3A_2, %dma_wait3A_44, %dma_wait3A_45] : memref<16384x50x128xf32, #tpu.memory_space<hbm>> -> memref<1x50x128xf32, #tpu.memory_space<hbm>>
    %dma_wait3A_47 = tpu.memref_squeeze %dma_wait3A_46 : memref<1x50x128xf32, #tpu.memory_space<hbm>> -> memref<50x128xf32, #tpu.memory_space<hbm>>
    %dma_wait3A_48 = arith.constant 0 : i32
    %dma_wait3A_49 = arith.constant 0 : i32
    %dma_wait3A_50 = tpu.memref_slice %arg4[%mul3A_2, %dma_wait3A_48, %dma_wait3A_49] : memref<16384x50x128xf32, #tpu.memory_space<hbm>> -> memref<1x50x128xf32, #tpu.memory_space<hbm>>
    %dma_wait3A_51 = tpu.memref_squeeze %dma_wait3A_50 : memref<1x50x128xf32, #tpu.memory_space<hbm>> -> memref<50x128xf32, #tpu.memory_space<hbm>>
    tpu.wait_dma2 semaphore(%arg28 : memref<!tpu.dma_semaphore, #tpu.memory_space<semaphore_mem>>) src(%arg12 : memref<50x128xf32, #tpu.memory_space<vmem>>) dst(%dma_wait3A_51 : memref<50x128xf32, #tpu.memory_space<hbm>>)
    %dma_wait3A_52 = arith.constant 0 : i32
    %dma_wait3A_53 = arith.constant 0 : i32
    %dma_wait3A_54 = tpu.memref_slice %arg4[%mul3A_2, %dma_wait3A_52, %dma_wait3A_53] : memref<16384x50x128xf32, #tpu.memory_space<hbm>> -> memref<1x50x128xf32, #tpu.memory_space<hbm>>
    %dma_wait3A_55 = tpu.memref_squeeze %dma_wait3A_54 : memref<1x50x128xf32, #tpu.memory_space<hbm>> -> memref<50x128xf32, #tpu.memory_space<hbm>>
    %dma_wait3A_56 = arith.constant 0 : i32
    %dma_wait3A_57 = arith.constant 0 : i32
    %dma_wait3A_58 = tpu.memref_slice %arg4[%mul3A_2, %dma_wait3A_56, %dma_wait3A_57] : memref<16384x50x128xf32, #tpu.memory_space<hbm>> -> memref<1x50x128xf32, #tpu.memory_space<hbm>>
    %dma_wait3A_59 = tpu.memref_squeeze %dma_wait3A_58 : memref<1x50x128xf32, #tpu.memory_space<hbm>> -> memref<50x128xf32, #tpu.memory_space<hbm>>
    tpu.wait_dma2 semaphore(%arg29 : memref<!tpu.dma_semaphore, #tpu.memory_space<semaphore_mem>>) src(%arg13 : memref<50x128xf32, #tpu.memory_space<vmem>>) dst(%dma_wait3A_59 : memref<50x128xf32, #tpu.memory_space<hbm>>)
    return
  }
}

</mosaic_0001>

<sc_bundles>
// kernel: kernel.3.cloned.1.call-start
scs
__scs_entry_jumppad:
0x0: {  	(pc) =	sbr.rel $0x88, $3  }
0x1: {  	(tag) =	ssettag $0x0;
	lr =	simm.s32 $0x1  }
0x2: {  	[smem:$0x3F9F] =	sst lr;
	_ =	strace $0xD0000000  }
0x3: {  	_ = 	snop  }
0x4: {  	_ = 	snop  }
0x5: {  	_ = 	snop  }
0x6: {  	_ = 	snop  }
0x7: {  	_ = 	snop  }
__scs_overlays_trampoline_lowered:
0x8: {  	[smem:$0x3FAE] =	sst s0  }
0x9: {  	[smem:$0x3FAF] =	sst s1  }
0xa: {  	[smem:$0x3FB0] =	sst s2  }
0xb: {  	[smem:$0x3FB1] =	sst s3  }
0xc: {  	[smem:$0x3FB2] =	sst s4  }
0xd: {  	[smem:$0x3FB3] =	sst s5  }
0xe: {  	[smem:$0x3FB4] =	sst s6  }
0xf: {  	[smem:$0x3FB5] =	sst s7  }
0x10: {  	[smem:$0x3FB6] =	sst s8  }
0x11: {  	[smem:$0x3FB7] =	sst s9;
	s0 =	simm.s32 @!p0 $0x0  }
0x12: {  	s1 =	sld [smem:$0x3F9D];
	s0 =	simm.s32 @p0 $0x1  }
0x13: {  	[smem:$0x3FB8] =	sst s0;
	s0 =	simm.s32 @!p1 $0x0  }
0x14: {  	s2 =	sld [smem:$0x3F9C];
	s0 =	simm.s32 @p1 $0x1  }
0x15: {  	[smem:$0x3FB9] =	sst s0;
	s0 =	simm.s32 @!p2 $0x0  }
0x16: {  	s3 =	sld [smem:$0x3FDB];
	s0 =	simm.s32 @p2 $0x1  }
0x17: {  	s4 =	simm.s32 $0x1BF5;
	[smem:$0x3FBB] =	sst s0  }
0x18: {  	s0 =	sld [smem:$0x3F9E];
	_ =	swait.ge [sflag:s4], $0x0  }
0x19: {  	s7 =	sld [smem:$0x3F9F]  }
0x1a: {  	s8 =	sadd.s32 $0xFFFFE003, lr  }
0x1b: {  	s9 =	sadd.s32 $0xFFFFFEF7, lr;
	s5 =	simm.s32 $0xFFFFFFFF;
	p2 =	slt.u32 s8, $0xFFFFF086  }
0x1c: {  	p1 =	slt.u32 s9, $0xF7A;
	s5 =	simm.s32 @!p2 $0x0  }
0x1d: {  	s5 =	simm.s32 @p1 $0x1;
	p0 =	seq.s32 s7, s2  }
0x1e: {  	s7 =	smul.u32 @!p0 $0xF7A, s2;
	p2 =	seq.s32 @!p0 s5, $0x0  }
0x1f: {  	s9 =	smul.u32 $0xF7A, s1;
	s8 =	simm.s32 @!p0 $0x1BF5;
	p2 =	por !p2, p0  }
0x20: {  	[sflag:s8] =	ssyncset.s32 @!p0 $0xFFFFF086;
	s6 =	sadd.s32 @!p0 s3, s7;
	s7 =	simm.s32 @!p0 $0x108  }
0x21: {  	s3 =	sadd.s32 s3, s9;
	s6 =	sadd.s32 @!p0 $0x88, s6;
	s7 =	simm.s32 @p2 $0x1082  }
0x22: {  	[simem:s7], [sflag:s8] =	dma.local @!p0 [hbm:s6], $0xF7A  }
0x23: {  	s9 =	sor.u32 $0xD0000000, s2;
	s6 =	simm.s32 $0x108;
	_ =	swait.ge @!p0 [sflag:s8], $0x0  }
0x24: {  	s3 =	sadd.s32 $0x88, s3;
	s6 =	simm.s32 @!p1 $0x1082;
	[sflag:s4] =	ssyncset.s32 $0xFFFFF086  }
0x25: {  	[simem:s6], [sflag:s4] =	dma.local [hbm:s3], $0xF7A  }
0x26: {  	[smem:$0x3F9F] =	sst s1;
	(tag) =	ssettag s2;
	_ =	strace s9  }
0x27: {  	s1 =	sld [smem:$0x3FAF]  }
0x28: {  	s2 =	sld [smem:$0x3FB0]  }
0x29: {  	s4 =	sld [smem:$0x3FB2]  }
0x2a: {  	p0 =	seq.s32 s5, $0x0;
	s5 =	sld [smem:$0x3FB3]  }
0x2b: {  	s6 =	sld [smem:$0x3FB4]  }
0x2c: {  	s7 =	sld [smem:$0x3FB5]  }
0x2d: {  	s3 =	simm.s32 $0x108;
	s8 =	sld [smem:$0x3FB6]  }
0x2e: {  	s3 =	simm.s32 @!p0 $0x1082;
	s9 =	sld [smem:$0x3FB7]  }
0x2f: {  	lr =	sadd.s32 s0, s3;
	s0 =	sld [smem:$0x3FAE]  }
0x30: {  	s3 =	sld [smem:$0x3FB1]  }
0x31: {  	[smem:$0x3FBA] =	sst s10  }
0x32: {  	s10 =	sld [smem:$0x3FB8];
	_ =	sdelay $0x3  }
0x33: {  	p0 =	seq.s32 s10, $0x1;
	s10 =	sld [smem:$0x3FBA];
	_ =	sdelay $0x3  }
0x34: {  	[smem:$0x3FBA] =	sst s10  }
0x35: {  	s10 =	sld [smem:$0x3FB9];
	_ =	sdelay $0x3  }
0x36: {  	p1 =	seq.s32 s10, $0x1;
	s10 =	sld [smem:$0x3FBA];
	_ =	sdelay $0x3  }
0x37: {  	[smem:$0x3FBA] =	sst s10  }
0x38: {  	s10 =	sld [smem:$0x3FBB]  }
0x39: {  	_ = 	snop;
	(pc) =	sbr.ind lr, $3  }
0x3a: {  	_ = 	snop  }
0x3b: {  	_ = 	snop  }
0x3c: {  	p2 =	seq.s32 s10, $0x1;
	s10 =	sld [smem:$0x3FBA]  }
0x3d: {  	_ =	shalt  }
0x3e: {  	_ =	shalt  }
0x3f: {  	_ =	shalt  }
0x40: {  	_ =	shalt  }
0x41: {  	_ =	shalt  }
0x42: {  	_ =	shalt  }
0x43: {  	_ =	shalt  }
0x44: {  	_ =	shalt  }
0x45: {  	_ =	shalt  }
0x46: {  	_ =	shalt  }
0x47: {  	_ =	shalt  }
0x48: {  	_ =	shalt  }
0x49: {  	_ =	shalt  }
0x4a: {  	_ =	shalt  }
0x4b: {  	_ =	shalt  }
0x4c: {  	_ =	shalt  }
0x4d: {  	_ =	shalt  }
0x4e: {  	_ =	shalt  }
0x4f: {  	_ =	shalt  }
0x50: {  	_ =	shalt  }
0x51: {  	_ =	shalt  }
0x52: {  	_ =	shalt  }
0x53: {  	_ =	shalt  }
0x54: {  	_ =	shalt  }
0x55: {  	_ =	shalt  }
0x56: {  	_ =	shalt  }
0x57: {  	_ =	shalt  }
0x58: {  	_ =	shalt  }
0x59: {  	_ =	shalt  }
0x5a: {  	_ =	shalt  }
0x5b: {  	_ =	shalt  }
0x5c: {  	_ =	shalt  }
0x5d: {  	_ =	shalt  }
0x5e: {  	_ =	shalt  }
0x5f: {  	_ =	shalt  }
0x60: {  	_ =	shalt  }
0x61: {  	_ =	shalt  }
0x62: {  	_ =	shalt  }
0x63: {  	_ =	shalt  }
0x64: {  	_ =	shalt  }
0x65: {  	_ =	shalt  }
0x66: {  	_ =	shalt  }
0x67: {  	_ =	shalt  }
0x68: {  	_ =	shalt  }
0x69: {  	_ =	shalt  }
0x6a: {  	_ =	shalt  }
0x6b: {  	_ =	shalt  }
0x6c: {  	_ =	shalt  }
0x6d: {  	_ =	shalt  }
0x6e: {  	_ =	shalt  }
0x6f: {  	_ =	shalt  }
0x70: {  	_ =	shalt  }
0x71: {  	_ =	shalt  }
0x72: {  	_ =	shalt  }
0x73: {  	_ =	shalt  }
0x74: {  	_ =	shalt  }
0x75: {  	_ =	shalt  }
0x76: {  	_ =	shalt  }
0x77: {  	_ =	shalt  }
0x78: {  	_ =	shalt  }
0x79: {  	_ =	shalt  }
0x7a: {  	_ =	shalt  }
0x7b: {  	_ =	shalt  }
0x7c: {  	_ =	shalt  }
0x7d: {  	_ =	shalt  }
0x7e: {  	_ =	shalt  }
0x7f: {  	_ =	shalt  }
0x80: {  	_ =	shalt  }
0x81: {  	_ =	shalt  }
0x82: {  	_ =	shalt  }
0x83: {  	_ =	shalt  }
0x84: {  	_ =	shalt  }
0x85: {  	_ =	shalt  }
0x86: {  	_ =	shalt  }
0x87: {  	_ =	shalt  }
.Lfunc_end0:
.L_simem_size_0:
called_computation.1_lowered:
.L_overlay_start_0:
0x88: {  	s2 =	sld [smem:$0x3FD9]  }
0x89: {  	s3 =	sld [smem:$0x3FFE];
	_ =	sdelay $0x1  }
0x8a: {  	s1 =	srdreg.scid  }
0x8b: {  	s0 =	sand.u32 $0x1, s1  }
0x8c: {  	s17 =	sshll.u32 s0, $0xA;
	s2 =	sadd.s32 s3, s2  }
0x8d: {  	s2 =	sadd.s32 s2, s17  }
0x8e: {  	[smem:$0x3FC6] =	sst s2  }
0x8f: {  	_ = 	snop  }
0x90: {  	s2 =	sld [smem:$0x3FD0];
	(tm) =	ssettm $0x1  }
0x91: {  	s18 =	sld [smem:$0x3FFB];
	_ =	sdelay $0x3  }
0x92: {  	_ =	strace s18  }
0x93: {  	s3 =	sld [smem:$0x3FFC];
	_ =	sdelay $0x3  }
0x94: {  	_ =	strace s3  }
0x95: {  	s3 =	sld [smem:$0x3FFD];
	_ =	sdelay $0x3  }
0x96: {  	_ =	strace s3  }
0x97: {  	_ =	strace $0x8FFFFFFF  }
0x98: {  	s19 =	sld [smem:$0x3FDB];
	_ =	sdelay $0x1  }
0x99: {  	s4 =	simm.s32 $_scs_section_size  }
0x9a: {  	s5 =	simm.s32 $_size__tile_overlayer_lowered;
	s6 =	simm.s32 $_tile_overlayer_lowered  }
0x9b: {  	s22 =	simm.s32 $0x1BFF;
	s21 =	sshll.u32 s6, $0x1;
	s3 =	sadd.s32 s4, s19  }
0x9c: {  	s7 =	simm.s32 $0x0;
	s20 =	sshll.u32 s5, $0x1;
	s5 =	sadd.s32 s21, s3  }
0x9d: {  	[timem:s7], [sflag:s22] =	dma.local [hbm:s5], s20  }
0x9e: {  	_ =	swait.ge [sflag:s22], s20  }
0x9f: {  	s4 =	ssub.s32 $0x0, s20;
	[sflag:s22] =	ssyncset.done $0x0  }
0xa0: {  	[sflag:s22] =	ssyncadd.s32 s4;
	_ =	sdelay $0x1  }
0xa1: {  	s23 =	simm.s32 $0x1B8B  }
0xa2: {  	_ =	swait.ge [sflag:s23], $0x1  }
0xa3: {  	[sflag:s23] =	ssyncset.done $0x0  }
0xa4: {  	s25 =	simm.s32 $0x1B8E;
	s24 =	sld [smem:$0x3FFE];
	[sflag:s23] =	ssyncadd.s32 $0xFFFFFFFF  }
0xa5: {  	s26 =	simm.s32 $execute0_lowered;
	[smem:$0x3FD2] =	sst s25  }
0xa6: {  	s5 =	sshll.u32 s26, $0x1;
	_ =	strace $0x80000046;
	[dreg:$0x1] =	wrdreg $0xFFFFFFFF  }
0xa7: {  	s28 =	simm.s32 $_size_execute0_lowered;
	s3 =	sadd.s32 s3, s5;
	[dreg:$0x0] =	wrdreg $0x0  }
0xa8: {  	s5 =	sshll.u32 s28, $0x1;
	[dreg:$0x2] =	wrdreg s3  }
0xa9: {  	[dreg:$0x3] =	wrdreg s5  }
0xaa: {  	[dreg:$0x4] =	wrdreg $0xC0  }
0xab: {  	_ =	task [dreg:s7], $0x5FFFF  }
0xac: {  	[dreg:$0x1] =	wrdreg $0xFFFFFFFF  }
0xad: {  	[dreg:$0x0] =	wrdreg $0x60  }
0xae: {  	[dreg:$0x2] =	wrdreg s2  }
0xaf: {  	[dreg:$0x3] =	wrdreg s24  }
0xb0: {  	[dreg:$0x4] =	wrdreg $0x9  }
0xb1: {  	_ =	task.clear_ibuf [dreg:s7], $0x5FFFF;
	_ =	strace $0x90000046  }
0xb2: {  	s29 =	simm.s32 $0x9;
	_ =	strace $0x80000048  }
0xb3: {  	_ =	swait.ge [sflag:s29], $0x1  }
0xb4: {  	[sflag:s29] =	ssyncadd.s32 $0xFFFFFFFF  }
0xb5: {  	_ =	strace $0x90000048  }
0xb6: {  	_ =	sfence  }
0xb7: {  	s30 =	sld [smem:$0x0];
	_ =	sdelay $0x2  }
0xb8: {  	s31 =	sshll.u32 s1, $0xD;
	s1 =	sshrl.u32 s1, $0x2  }
0xb9: {  	s3 =	sand.u32 $0x4000, s31;
	s1 =	sadd.s32 s1, s30  }
0xba: {  	s0 =	sor.u32 s3, s0;
	s1 =	sshll.u32 s1, $0x11  }
0xbb: {  	s0 =	sor.u32 s1, s0  }
0xbc: {  	s0 =	sadd.s32 $0x8F2B, s0  }
0xbd: {  	[sflag:s0] =	ssyncadd.remote.s32 $0x1  }
0xbe: {  	_ =	sfence.sel $0xFFFF  }
0xbf: {  	[dreg:$0x0] =	wrdreg $0xFFFFFFFF;
	(pc) =	sbr.abs _section_cstart, $3  }
0xc0: {  	[dreg:$0x1] =	wrdreg $0xFFFFFFFF  }
0xc1: {  	_ =	task.clear_ibuf [dreg:s7], $0x2FFFF;
	_ =	strace $0x9FFFFFFF  }
0xc2: {  	(tm) =	ssettm $0x7FFFFFFF  }
0xc3: {  	_ =	shalt  }
tec
execute0_lowered:
.L_overlay_start_1:
0x0: {  	(tag) =	ssettag $0x1  }
0x1: {  	s0 =	rddreg [dreg:$0x0]  }
0x2: {  	s2 =	rddreg [dreg:$0x1]  }
0x3: {  	s1 =	simm.s32 $0x0;
	s3 =	srdreg.scid;
	s8 =	stileid.u32  }
0x4: {  	s14 =	simm.s32 $0xC0;
	s15 =	simm.s32 $0xD400;
	s16 =	simm.s32 $0xD  }
0x5: {  	s17 =	simm.s32 $0xE;
	s18 =	simm.s32 $0xF;
	s19 =	simm.s32 $0x10  }
0x6: {  	s20 =	simm.s32 $0x9;
	s21 =	simm.s32 $0x5;
	s22 =	simm.s32 $0xF000  }
0x7: {  	s23 =	simm.s32 $0x6;
	s24 =	simm.s32 $0x10C00;
	s25 =	simm.s32 $0x7  }
0x8: {  	s28 =	simm.s32 $0x8;
	s29 =	simm.s32 $0x14400;
	s30 =	simm.s32 $0x0  }
0x9: {  	[smem:$0x7FF] =	sst s1;
	s4 =	sand.u32 $0x1, s3;
	s3 =	sadd.s32 $0xF42E00, s2  }
0xa: {  	s6 =	smul.u32 $0xE0000, s8;
	s8 =	sshll.u32 s8, $0xD;
	_ =	strace $0x80000047  }
.Ltmp0:
0xb: {  	s5 =	ssub.s32 $0x2, s4;
	s9 =	sshll.u32 s4, $0xC;
	(pc) =	sbr.rel .LBB2_1-.Ltmp0, $4  }
0xc: {  	s10 =	smul.u32 $0x70000, s4;
	s7 =	sshrl.u32 s5, $0x1;
	s2 =	sadd.s32 s6, s2  }
0xd: {  	s26 =	sor.u32 s9, s8;
	s8 =	simm.s32 $0x32;
	s5 =	ssub.s32 s5, s7  }
0xe: {  	s4 =	sadd.s32 s0, s26;
	s31 =	sadd.s32 s10, s2;
	s7 =	simm.s32 $0x11  }
0xf: {  	s26 =	simm.s32 $0x12800;
	s5 =	smax.u32 s5, $0x1;
	s6 =	sadd.s32 $0xA00, s31  }
.LBB2_5:
0x10: {  	_ =	swait.ge [sflag:s16], $0x1900  }
0x11: {  	[sflag:s16] =	ssyncset.done $0x0  }
0x12: {  	[sflag:s16] =	ssyncadd.s32 $0xFFFFE700  }
0x13: {  	_ =	swait.ge [sflag:s17], $0x1900  }
0x14: {  	[sflag:s17] =	ssyncset.done $0x0  }
0x15: {  	s30 =	sadd.s32 $0x1, s30;
	[sflag:s17] =	ssyncadd.s32 $0xFFFFE700  }
0x16: {  	p0 =	sne.s32 s30, s5;
	_ =	swait.ge [sflag:s18], $0x1900  }
.Ltmp1:
0x17: {  	[sflag:s18] =	ssyncset.done $0x0;
	(pc) =	sbr.rel @!p0 .LBB2_6-.Ltmp1, $4  }
0x18: {  	[sflag:s18] =	ssyncadd.s32 $0xFFFFE700  }
0x19: {  	_ =	swait.ge [sflag:s19], $0x1900  }
0x1a: {  	[sflag:s19] =	ssyncset.done $0x0  }
0x1b: {  	[sflag:s19] =	ssyncadd.s32 $0xFFFFE700  }
.LBB2_1:
0x1c: {  	[tilespmem:s1], [sflag:$0x11] =	stream.linear.gather [hbm4b:s4+s1], $0x8000, $0x38;
	[tilespmem:$0x16000] =	vst v63  }
0x1d: {  	_ =	swait.ge [sflag:s7], $0x8000  }
0x1e: {  	[sflag:s7] =	ssyncset.done $0x0  }
0x1f: {  	s0 =	simm.s32 $0x8000;
	[sflag:s7] =	ssyncadd.s32 $0xFFFF8000  }
0x20: {  	[tilespmem:s0], [sflag:$0x1] =	stream.indirect.gather [hbm4b:s3+s8], $0x80, s1, s8, $0xb8;
	[tilespmem:$0x16000] =	vst v63  }
0x21: {  	s11 =	simm.s32 $0x40;
	s2 =	simm.s32 $0x9C00  }
0x22: {  	[tilespmem:s2], [sflag:$0x2] =	stream.indirect.gather [hbm4b:s3+s8], $0x80, s11, s8, $0xb8;
	[tilespmem:$0x16000] =	vst v63  }
.Ltmp2:
0x23: {  	_ = 	snop;
	(pc) =	sbr.rel .LBB2_2-.Ltmp2, $4  }
0x24: {  	s12 =	simm.s32 $0x80;
	s13 =	simm.s32 $0xB800  }
0x25: {  	[tilespmem:s13], [sflag:$0x3] =	stream.indirect.gather [hbm4b:s3+s8], $0x80, s12, s8, $0xb8;
	[tilespmem:$0x16000] =	vst v63  }
0x26: {  	s31 =	smov.u32 s6;
	s0 =	simm.s32 $0x0;
	s2 =	simm.s32 $0x0  }
0x27: {  	[tilespmem:s15], [sflag:$0x4] =	stream.indirect.gather [hbm4b:s3+s8], $0x80, s14, s8, $0xb8;
	[tilespmem:$0x16000] =	vst v63  }
.LBB2_4:
0x28: {  	s0 =	sadd.s32 $0x400, s0  }
0x29: {  	p0 =	sne.s32 s0, $0x20000  }
.Ltmp3:
0x2a: {  	_ = 	snop;
	(pc) =	sbr.rel @!p0 .LBB2_5-.Ltmp3, $2  }
0x2b: {  	_ =	sdelay $0x2  }
0x2c: {  	s2 =	sadd.s32 $0x1, s2;
	s31 =	sadd.s32 $0xE00, s31  }
.LBB2_2:
0x2d: {  	s9 =	sand.u32 $0x1, s2  }
0x2e: {  	p0 =	seq.s32 s9, $0x1  }
0x2f: {  	p2 =	sne.s32 @!p0 s0, $0x0  }
0x30: {  	p1 =	por !p2, p0  }
0x31: {  	s10 =	simm.s32 @!p1 $0xD  }
0x32: {  	_ =	swait.ge @!p1 [sflag:s10], $0x1900  }
0x33: {  	[sflag:s10] =	ssyncset.done @!p1 $0x0  }
0x34: {  	[sflag:s10] =	ssyncadd.s32 @!p1 $0xFFFFE700;
	s10 =	sshra.s32 @!p1 s0, $0x2  }
0x35: {  	s12 =	simm.s32 @!p1 $0x32;
	s13 =	simm.s32 @!p1 $0xF000;
	s11 =	sadd.s32 @!p1 $0x100, s10  }
0x36: {  	[tilespmem:s13], [sflag:$0x5] =	stream.indirect.gather @!p1 [hbm4b:s3+s12], $0x80, s11, s12, $0xb8;
	[tilespmem:$0x16000] =	vst v63  }
0x37: {  	s11 =	simm.s32 @!p1 $0xE  }
0x38: {  	_ =	swait.ge @!p1 [sflag:s11], $0x1900  }
0x39: {  	[sflag:s11] =	ssyncset.done @!p1 $0x0  }
0x3a: {  	s13 =	simm.s32 @!p1 $0x10C00;
	[sflag:s11] =	ssyncadd.s32 @!p1 $0xFFFFE700;
	s11 =	sadd.s32 @!p1 $0x140, s10  }
0x3b: {  	[tilespmem:s13], [sflag:$0x6] =	stream.indirect.gather @!p1 [hbm4b:s3+s12], $0x80, s11, s12, $0xb8;
	[tilespmem:$0x16000] =	vst v63  }
0x3c: {  	s11 =	simm.s32 @!p1 $0xF  }
0x3d: {  	_ =	swait.ge @!p1 [sflag:s11], $0x1900  }
0x3e: {  	[sflag:s11] =	ssyncset.done @!p1 $0x0  }
0x3f: {  	s10 =	sadd.s32 @!p1 $0x180, s10;
	[sflag:s11] =	ssyncadd.s32 @!p1 $0xFFFFE700;
	s11 =	simm.s32 @!p1 $0x12800  }
0x40: {  	[tilespmem:s11], [sflag:$0x7] =	stream.indirect.gather @!p1 [hbm4b:s3+s12], $0x80, s10, s12, $0xb8;
	[tilespmem:$0x16000] =	vst v63  }
0x41: {  	s10 =	simm.s32 @!p1 $0x10  }
0x42: {  	p2 =	por p2, p0;
	_ =	swait.ge @!p1 [sflag:s10], $0x1900  }
0x43: {  	s11 =	simm.s32 @!p2 $0x100;
	[sflag:s10] =	ssyncset.done @!p1 $0x0  }
0x44: {  	s12 =	simm.s32 @!p2 $0xF000;
	[sflag:s10] =	ssyncadd.s32 @!p1 $0xFFFFE700;
	s10 =	simm.s32 @!p2 $0x32  }
0x45: {  	[tilespmem:s12], [sflag:$0x5] =	stream.indirect.gather @!p2 [hbm4b:s3+s10], $0x80, s11, s10, $0xb8;
	[tilespmem:$0x16000] =	vst v63  }
0x46: {  	s11 =	simm.s32 @!p2 $0x140;
	s12 =	simm.s32 @!p2 $0x10C00  }
0x47: {  	[tilespmem:s12], [sflag:$0x6] =	stream.indirect.gather @!p2 [hbm4b:s3+s10], $0x80, s11, s10, $0xb8;
	[tilespmem:$0x16000] =	vst v63  }
0x48: {  	s11 =	sadd.s32 @!p1 $0x400, s0  }
0x49: {  	s13 =	simm.s32 @!p2 $0x12800;
	s12 =	simm.s32 @!p2 $0x180;
	s11 =	simm.s32 @p1 $0x400  }
0x4a: {  	[tilespmem:s13], [sflag:$0x7] =	stream.indirect.gather @!p2 [hbm4b:s3+s10], $0x80, s12, s10, $0xb8;
	[tilespmem:$0x16000] =	vst v63  }
0x4b: {  	s10 =	sshra.s32 @!p0 s11, $0x2  }
0x4c: {  	s11 =	simm.s32 @!p0 $0x32;
	s12 =	simm.s32 @!p0 $0x14400;
	s10 =	sadd.s32 @!p0 $0xC0, s10  }
0x4d: {  	[tilespmem:s12], [sflag:$0x8] =	stream.indirect.gather @!p0 [hbm4b:s3+s11], $0x80, s10, s11, $0xb8;
	[tilespmem:$0x16000] =	vst v63  }
0x4e: {  	s10 =	simm.s32 @!p0 $0x1  }
0x4f: {  	_ =	swait.ge @!p0 [sflag:s10], $0x1900  }
0x50: {  	[sflag:s10] =	ssyncset.done @!p0 $0x0  }
0x51: {  	s11 =	simm.s32 @!p0 $0x8000;
	[sflag:s10] =	ssyncadd.s32 @!p0 $0xFFFFE700;
	s10 =	simm.s32 @!p0 $0x0  }
0x52: {  	[hbm4b:s31+s10] =	stream.linear.scatter @!p0 [tilespmem:s11], [sflag:$0x9], $0x1900, $0x38;
	[tilespmem:$0x16000] =	vst v63  }
0x53: {  	s11 =	simm.s32 @!p0 $0x2  }
0x54: {  	_ =	swait.ge @!p0 [sflag:s11], $0x1900  }
0x55: {  	[sflag:s11] =	ssyncset.done @!p0 $0x0  }
0x56: {  	s12 =	simm.s32 @!p0 $0x9C00;
	[sflag:s11] =	ssyncadd.s32 @!p0 $0xFFFFE700;
	s11 =	sadd.s32 @!p0 $0x380, s31  }
0x57: {  	[hbm4b:s11+s10] =	stream.linear.scatter @!p0 [tilespmem:s12], [sflag:$0xA], $0x1900, $0x38;
	[tilespmem:$0x16000] =	vst v63  }
0x58: {  	s11 =	simm.s32 @!p0 $0x3  }
0x59: {  	_ =	swait.ge @!p0 [sflag:s11], $0x1900  }
0x5a: {  	[sflag:s11] =	ssyncset.done @!p0 $0x0  }
0x5b: {  	s12 =	simm.s32 @!p0 $0xB800;
	[sflag:s11] =	ssyncadd.s32 @!p0 $0xFFFFE700;
	s11 =	sadd.s32 @!p0 $0x700, s31  }
0x5c: {  	[hbm4b:s11+s10] =	stream.linear.scatter @!p0 [tilespmem:s12], [sflag:$0xB], $0x1900, $0x38;
	[tilespmem:$0x16000] =	vst v63  }
0x5d: {  	s11 =	simm.s32 @!p0 $0x4  }
0x5e: {  	_ =	swait.ge @!p0 [sflag:s11], $0x1900  }
0x5f: {  	p1 =	seq.s32 @!p0 s9, $0x0;
	[sflag:s11] =	ssyncset.done @!p0 $0x0  }
0x60: {  	s12 =	simm.s32 @!p0 $0xD400;
	[sflag:s11] =	ssyncadd.s32 @!p0 $0xFFFFE700;
	s11 =	sadd.s32 @!p0 $0xA80, s31  }
0x61: {  	[hbm4b:s11+s10] =	stream.linear.scatter @!p0 [tilespmem:s12], [sflag:$0xC], $0x1900, $0x38;
	[tilespmem:$0x16000] =	vst v63  }
0x62: {  	p0 =	por p0, !p1  }
.Ltmp4:
0x63: {  	_ = 	snop;
	(pc) =	sbr.rel @!p0 .LBB2_4-.Ltmp4, $1  }
0x64: {  	_ =	sdelay $0x3  }
0x65: {  	_ =	swait.ge [sflag:s20], $0x1900;
	p0 =	sne.s32 s0, $0x1FC00  }
0x66: {  	[sflag:s20] =	ssyncset.done $0x0;
	s9 =	sshra.s32 @p0 s0, $0x2;
	s11 =	simm.s32 @p0 $0x32  }
0x67: {  	s12 =	simm.s32 @p0 $0x8000;
	[sflag:s20] =	ssyncadd.s32 $0xFFFFE700;
	s10 =	sadd.s32 @p0 $0x100, s9  }
0x68: {  	[tilespmem:s12], [sflag:$0x1] =	stream.indirect.gather @p0 [hbm4b:s3+s11], $0x80, s10, s11, $0xb8;
	[tilespmem:$0x16000] =	vst v63  }
0x69: {  	s10 =	simm.s32 @p0 $0xA  }
0x6a: {  	_ =	swait.ge @p0 [sflag:s10], $0x1900  }
0x6b: {  	[sflag:s10] =	ssyncset.done @p0 $0x0  }
0x6c: {  	s12 =	simm.s32 @p0 $0x9C00;
	[sflag:s10] =	ssyncadd.s32 @p0 $0xFFFFE700;
	s10 =	sadd.s32 @p0 $0x140, s9  }
0x6d: {  	[tilespmem:s12], [sflag:$0x2] =	stream.indirect.gather @p0 [hbm4b:s3+s11], $0x80, s10, s11, $0xb8;
	[tilespmem:$0x16000] =	vst v63  }
0x6e: {  	s10 =	simm.s32 @p0 $0xB  }
0x6f: {  	_ =	swait.ge @p0 [sflag:s10], $0x1900  }
0x70: {  	[sflag:s10] =	ssyncset.done @p0 $0x0  }
0x71: {  	s12 =	simm.s32 @p0 $0xB800;
	[sflag:s10] =	ssyncadd.s32 @p0 $0xFFFFE700;
	s10 =	sadd.s32 @p0 $0x180, s9  }
0x72: {  	[tilespmem:s12], [sflag:$0x3] =	stream.indirect.gather @p0 [hbm4b:s3+s11], $0x80, s10, s11, $0xb8;
	[tilespmem:$0x16000] =	vst v63  }
0x73: {  	s10 =	simm.s32 @p0 $0xC  }
0x74: {  	_ =	swait.ge @p0 [sflag:s10], $0x1900  }
0x75: {  	[sflag:s10] =	ssyncset.done @p0 $0x0  }
0x76: {  	s9 =	sadd.s32 @p0 $0x1C0, s9;
	[sflag:s10] =	ssyncadd.s32 @p0 $0xFFFFE700;
	s10 =	simm.s32 @p0 $0xD400  }
0x77: {  	[tilespmem:s10], [sflag:$0x4] =	stream.indirect.gather @p0 [hbm4b:s3+s11], $0x80, s9, s11, $0xb8;
	[tilespmem:$0x16000] =	vst v63  }
0x78: {  	s9 =	simm.s32 @!p0 $0xA  }
0x79: {  	_ =	swait.ge @!p0 [sflag:s9], $0x1900  }
0x7a: {  	[sflag:s9] =	ssyncset.done @!p0 $0x0  }
0x7b: {  	[sflag:s9] =	ssyncadd.s32 @!p0 $0xFFFFE700;
	s9 =	simm.s32 @!p0 $0xB  }
0x7c: {  	_ =	swait.ge @!p0 [sflag:s9], $0x1900  }
0x7d: {  	[sflag:s9] =	ssyncset.done @!p0 $0x0  }
0x7e: {  	[sflag:s9] =	ssyncadd.s32 @!p0 $0xFFFFE700;
	s9 =	simm.s32 @!p0 $0xC  }
0x7f: {  	_ =	swait.ge @!p0 [sflag:s9], $0x1900  }
0x80: {  	[sflag:s9] =	ssyncset.done @!p0 $0x0  }
0x81: {  	[sflag:s9] =	ssyncadd.s32 @!p0 $0xFFFFE700  }
0x82: {  	_ =	swait.ge [sflag:s21], $0x1900  }
0x83: {  	[sflag:s21] =	ssyncset.done $0x0  }
0x84: {  	[sflag:s21] =	ssyncadd.s32 $0xFFFFE700  }
0x85: {  	[hbm4b:s31+s1] =	stream.linear.scatter [tilespmem:s22], [sflag:$0xD], $0x1900, $0x38;
	[tilespmem:$0x16000] =	vst v63  }
0x86: {  	_ =	swait.ge [sflag:s23], $0x1900  }
0x87: {  	[sflag:s23] =	ssyncset.done $0x0  }
0x88: {  	s11 =	sadd.s32 $0x380, s31;
	[sflag:s23] =	ssyncadd.s32 $0xFFFFE700  }
0x89: {  	[hbm4b:s11+s1] =	stream.linear.scatter [tilespmem:s24], [sflag:$0xE], $0x1900, $0x38;
	[tilespmem:$0x16000] =	vst v63  }
0x8a: {  	_ =	swait.ge [sflag:s25], $0x1900  }
0x8b: {  	[sflag:s25] =	ssyncset.done $0x0  }
0x8c: {  	s12 =	sadd.s32 $0x700, s31;
	[sflag:s25] =	ssyncadd.s32 $0xFFFFE700  }
0x8d: {  	[hbm4b:s12+s1] =	stream.linear.scatter [tilespmem:s26], [sflag:$0xF], $0x1900, $0x38;
	[tilespmem:$0x16000] =	vst v63  }
.Ltmp5:
0x8e: {  	_ = 	snop;
	(pc) =	sbr.rel .LBB2_4-.Ltmp5, $4  }
0x8f: {  	_ =	swait.ge [sflag:s28], $0x1900  }
0x90: {  	[sflag:s28] =	ssyncset.done $0x0  }
0x91: {  	s13 =	sadd.s32 $0xA80, s31;
	[sflag:s28] =	ssyncadd.s32 $0xFFFFE700  }
0x92: {  	[hbm4b:s13+s1] =	stream.linear.scatter [tilespmem:s29], [sflag:$0x10], $0x1900, $0x38;
	[tilespmem:$0x16000] =	vst v63  }
.LBB2_6:
0x93: {  	_ =	sfence.sel $0x180000  }
0x94: {  	[bflag:$0x0] =	sbarrier.arrive $0xFFFF  }
0x95: {  	_ =	strace $0x90000047  }
0x96: {  	s0 =	stileid.u32;
	[bflag:$0x2] =	sbarrier.arrive $0xFFFF  }
0x97: {  	p0 =	sne.s32 s0, $0x0;
	s0 =	rddreg [dreg:$0x2]  }
0x98: {  	s0 =	sadd.s32 @!p0 $0x100000, s0  }
0x99: {  	[sflag:s0] =	ssyncadd.tile.s32 @!p0 $0x1;
	_ =	shalt  }
.Lfunc_end2:
_tile_overlayer_lowered:
.L_overlay_start_2:
0x9a: {  	(tag) =	ssettag $0x2  }
0x9b: {  	s0 =	rddreg [dreg:$0x0];
	s2 =	stileid.u32  }
0x9c: {  	s1 =	rddreg [dreg:$0x1];
	p0 =	sne.s32 s2, $0x0  }
0x9d: {  	s3 =	rddreg [dreg:$0x2];
	[bflag:$0x3] =	sbarrier.arrive $0xFFFF;
	s2 =	simm.s32 @!p0 $0x1C11  }
0x9e: {  	[timem:s3], [sflag:s2] =	dma.local @!p0 [hbm:s0], s1  }
0x9f: {  	s0 =	simm.s32 @!p0 $0x11  }
0xa0: {  	_ =	swait.ge @!p0 [sflag:s0], s1  }
0xa1: {  	s1 =	ssub.s32 @!p0 $0x0, s1;
	[sflag:s0] =	ssyncset.done @!p0 $0x0  }
0xa2: {  	[sflag:s0] =	ssyncadd.s32 @!p0 s1  }
0xa3: {  	[bflag:$0x3] =	sbarrier.arrive $0xFFFF  }
0xa4: {  	_ =	shalt  }

// kernel: sparse-core-data-format-call.cloned.1.call-start
scs
called_computation_lowered:
.L_overlay_start_0:
0x0: {  	s2 =	sld [smem:$0x3FD9]  }
0x1: {  	s3 =	sld [smem:$0x3FFE];
	_ =	sdelay $0x1  }
0x2: {  	s1 =	srdreg.scid  }
0x3: {  	s0 =	sand.u32 $0x1, s1  }
0x4: {  	s18 =	sshll.u32 s0, $0xA;
	s2 =	sadd.s32 s3, s2  }
0x5: {  	s2 =	sadd.s32 s2, s18  }
0x6: {  	[smem:$0x3FC6] =	sst s2  }
0x7: {  	_ = 	snop  }
0x8: {  	s2 =	sld [smem:$0x3FD0];
	(tm) =	ssettm $0x1  }
0x9: {  	s19 =	sld [smem:$0x3FFB];
	_ =	sdelay $0x3  }
0xa: {  	_ =	strace s19  }
0xb: {  	s3 =	sld [smem:$0x3FFC];
	_ =	sdelay $0x3  }
0xc: {  	_ =	strace s3  }
0xd: {  	s3 =	sld [smem:$0x3FFD];
	_ =	sdelay $0x3  }
0xe: {  	_ =	strace s3  }
0xf: {  	_ =	strace $0x8FFFFFFF  }
0x10: {  	s20 =	sld [smem:$0x3FDB];
	_ =	sdelay $0x1  }
0x11: {  	s4 =	simm.s32 $_scs_section_size  }
0x12: {  	s5 =	simm.s32 $_size__tile_overlayer_lowered;
	s6 =	simm.s32 $_tile_overlayer_lowered  }
0x13: {  	s23 =	simm.s32 $0x1BFF;
	s22 =	sshll.u32 s6, $0x1;
	s3 =	sadd.s32 s4, s20  }
0x14: {  	s7 =	simm.s32 $0x0;
	s21 =	sshll.u32 s5, $0x1;
	s5 =	sadd.s32 s22, s3  }
0x15: {  	[timem:s7], [sflag:s23] =	dma.local [hbm:s5], s21  }
0x16: {  	_ =	swait.ge [sflag:s23], s21  }
0x17: {  	s4 =	ssub.s32 $0x0, s21;
	[sflag:s23] =	ssyncset.done $0x0  }
0x18: {  	[sflag:s23] =	ssyncadd.s32 s4;
	_ =	sdelay $0x1  }
0x19: {  	s24 =	simm.s32 $0x1B8B  }
0x1a: {  	_ =	swait.ge [sflag:s24], $0x1  }
0x1b: {  	[sflag:s24] =	ssyncset.done $0x0  }
0x1c: {  	s26 =	simm.s32 $0x1B8E;
	s25 =	sld [smem:$0x3FFE];
	[sflag:s24] =	ssyncadd.s32 $0xFFFFFFFF  }
0x1d: {  	s27 =	simm.s32 $execute0_lowered;
	[smem:$0x3FD2] =	sst s26  }
0x1e: {  	s5 =	sshll.u32 s27, $0x1;
	_ =	strace $0x80000049;
	[dreg:$0x1] =	wrdreg $0xFFFFFFFF  }
0x1f: {  	s28 =	simm.s32 $_size_execute0_lowered;
	s3 =	sadd.s32 s3, s5;
	[dreg:$0x0] =	wrdreg $0x0  }
0x20: {  	s5 =	sshll.u32 s28, $0x1;
	[dreg:$0x2] =	wrdreg s3  }
0x21: {  	[dreg:$0x3] =	wrdreg s5  }
0x22: {  	[dreg:$0x4] =	wrdreg $0xC0  }
0x23: {  	_ =	task [dreg:s7], $0x5FFFF  }
0x24: {  	[dreg:$0x1] =	wrdreg $0xFFFFFFFF  }
0x25: {  	[dreg:$0x0] =	wrdreg $0x60  }
0x26: {  	[dreg:$0x2] =	wrdreg s25  }
0x27: {  	[dreg:$0x3] =	wrdreg s2  }
0x28: {  	[dreg:$0x4] =	wrdreg $0x9  }
0x29: {  	_ =	task.clear_ibuf [dreg:s7], $0x5FFFF;
	_ =	strace $0x90000049  }
0x2a: {  	s29 =	simm.s32 $0x9;
	_ =	strace $0x8000004B  }
0x2b: {  	_ =	swait.ge [sflag:s29], $0x1  }
0x2c: {  	[sflag:s29] =	ssyncadd.s32 $0xFFFFFFFF  }
0x2d: {  	_ =	strace $0x9000004B  }
0x2e: {  	_ =	sfence  }
0x2f: {  	s30 =	sld [smem:$0x0];
	_ =	sdelay $0x2  }
0x30: {  	s31 =	sshll.u32 s1, $0xD;
	s1 =	sshrl.u32 s1, $0x2  }
0x31: {  	s3 =	sand.u32 $0x4000, s31;
	s1 =	sadd.s32 s1, s30  }
0x32: {  	s0 =	sor.u32 s3, s0;
	s1 =	sshll.u32 s1, $0x11  }
0x33: {  	s0 =	sor.u32 s1, s0  }
0x34: {  	s0 =	sadd.s32 $0x8F2B, s0  }
0x35: {  	[sflag:s0] =	ssyncadd.remote.s32 $0x1  }
0x36: {  	_ =	sfence.sel $0xFFFF  }
0x37: {  	[dreg:$0x0] =	wrdreg $0xFFFFFFFF;
	(pc) =	sbr.abs _section_cstart, $3  }
0x38: {  	[dreg:$0x1] =	wrdreg $0xFFFFFFFF  }
0x39: {  	_ =	task.clear_ibuf [dreg:s7], $0x2FFFF;
	_ =	strace $0x9FFFFFFF  }
0x3a: {  	(tm) =	ssettm $0x7FFFFFFF  }
0x3b: {  	_ =	shalt  }
tec
execute0_lowered:
.L_overlay_start_1:
0x0: {  	(tag) =	ssettag $0x1  }
0x1: {  	s0 =	srdreg.scid  }
0x2: {  	s1 =	sshll.u32 s0, $0x4  }
0x3: {  	s0 =	stileid.u32;
	s1 =	sand.u32 $0x10, s1  }
0x4: {  	s1 =	sor.u32 s0, s1  }
0x5: {  	s6 =	rddreg [dreg:$0x0];
	s4 =	simm.s32 $0x1;
	s2 =	sshll.u32 s1, $0x7  }
0x6: {  	s7 =	simm.s32 $0x2;
	s12 =	simm.s32 $0x0;
	s1 =	ssub.s32 $0x4000, s2  }
0x7: {  	s8 =	simm.s32 $0x20000;
	s13 =	simm.s32 $0x0;
	s3 =	sand.u32 $0xF80, s1  }
0x8: {  	s9 =	simm.s32 $0x0;
	s5 =	sshrl.u32 s1, $0xC;
	p0 =	sne.s32 s3, $0x0  }
.Ltmp0:
0x9: {  	s1 =	rddreg [dreg:$0x2];
	s4 =	simm.s32 @!p0 $0x0;
	(pc) =	sbr.rel .LBB1_1-.Ltmp0, $4  }
0xa: {  	s11 =	simm.s32 $0x0;
	s3 =	rddreg [dreg:$0x1];
	s5 =	sadd.s32 s4, s5  }
0xb: {  	_ =	strace $0x8000004A;
	s4 =	simm.s32 $0x1;
	s5 =	smul.u32 $0x32, s5  }
0xc: {  	s6 =	sadd.s32 $0xA00, s6;
	s10 =	smov.u32 s2;
	[sflag:s4] =	ssyncpa.u1 $0x0  }
0xd: {  	p0 =	por $0x0, $0x0;
	[sflag:s7] =	ssyncpa.u1 $0x0;
	s7 =	sor.u32 $0x1, s5  }
.LBB1_4:
0xe: {  	s16 =	sshll.u32 s13, $0x3;
	s17 =	sand.u32 $0x78, s13  }
0xf: {  	s30 =	sand.u32 $0x1F800, s13;
	s12 =	sshll.u32 s12, $0x11;
	s16 =	sand.u32 $0x3C00, s16  }
0x10: {  	[tilespmem:s15+$0x810 ss:$0x81] =	vst.msk $0xffff, v2;
	s31 =	sand.u32 $0x7, s13;
	s16 =	sor.u32 s17, s16;
	s17 =	sadd.s32 s3, s30  }
0x11: {  	[tilespmem:s15+$0x1020 ss:$0x81] =	vst.msk $0xffff, v0;
	s13 =	sshll.u32 s31, $0x12;
	s12 =	sadd.s32 s12, s17;
	s16 =	sshrl.u32 s16, $0x3  }
0x12: {  	[tilespmem:s15+$0x0 ss:$0x81] =	vst.msk $0xffff, v1;
	s13 =	sor.u32 $0x400, s13;
	s12 =	sadd.s32 s16, s12  }
0x13: {  	[hbm4b:s12+s13] =	stream.strided.scatter [tilespmem:s14], [sflag:$0x2], $0x2000, s8, s13, $0x20;
	[tilespmem:$0x8080] =	vst v63  }
.LBB1_5:
0x14: {  	s14 =	sadd.s32 $0x1, s9  }
0x15: {  	s12 =	sadd.s32 $0x1000, s10;
	s16 =	smov.u32 s10;
	p2 =	sgt.s32 s14, $0x31  }
0x16: {  	s16 =	smov.u32 @p2 s12  }
0x17: {  	s14 =	simm.s32 @p2 $0x0;
	p2 =	sgt.s32 s16, $0x3FFF  }
0x18: {  	s16 =	smov.u32 @p2 s2;
	p2 =	sne.s32 s11, s7  }
.Ltmp1:
0x19: {  	p1 =	slt.u32 s11, $0x2;
	(pc) =	sbr.rel @!p2 .LBB1_6-.Ltmp1, $4  }
0x1a: {  	s15 =	simm.s32 @!p1 $0x2  }
0x1b: {  	s13 =	smov.u32 s10;
	p0 =	por !p0, !p0;
	_ =	swait.ge @!p1 [sflag:s15], $0x2000  }
0x1c: {  	s12 =	smov.u32 s9;
	[sflag:s15] =	ssyncset.done @!p1 $0x0;
	s9 =	smov.u32 s14  }
0x1d: {  	s11 =	sadd.s32 $0x1, s11;
	[sflag:s15] =	ssyncadd.s32 @!p1 $0xFFFFE000;
	s10 =	smov.u32 s16  }
.LBB1_1:
0x1e: {  	p1 =	sge.u32 s11, s5  }
0x1f: {  	s14 =	sand.u32 @!p1 $0x1FFFFFF, s9  }
0x20: {  	s15 =	smulhi.u32 @!p1 $0x4924925, s14;
	_ =	sdelay $0x1  }
0x21: {  	s15 =	smul.u32 @!p1 $0x38, s15  }
0x22: {  	s16 =	sxor.u32 @!p1 $0xFFFFFFFF, s11;
	s17 =	smul.u32 @!p1 $0x380, s10  }
0x23: {  	s31 =	sadd.s32 $0xFFFFFFFF, s11;
	s16 =	sshll.u32 @!p1 s16, $0xD;
	s14 =	ssub.s32 @!p1 s14, s15  }
0x24: {  	s15 =	sand.u32 @!p1 $0x2000, s16;
	s16 =	sadd.s32 @!p1 s6, s17;
	s14 =	sshll.u32 @!p1 s14, $0x4  }
0x25: {  	s17 =	simm.s32 @!p1 $0x1C00;
	s14 =	sadd.s32 @!p1 s14, s16;
	s16 =	simm.s32 @!p1 $0x40  }
0x26: {  	[tilespmem:s15], [sflag:$0x1] =	stream.strided.gather @!p1 [hbm4b:s14+s16], $0x2000, s17, s16, $0x38;
	[tilespmem:$0x8080] =	vst v63  }
0x27: {  	p1 =	sge.u32 s31, s5  }
.Ltmp2:
0x28: {  	_ = 	snop;
	(pc) =	sbr.rel @p1 .LBB1_5-.Ltmp2, $1  }
0x29: {  	_ =	sdelay $0x3  }
0x2a: {  	s14 =	simm.s32 $0x1  }
0x2b: {  	_ =	swait.ge [sflag:s4], $0x2000;
	s14 =	simm.s32 @!p0 $0x0  }
0x2c: {  	[sflag:s4] =	ssyncset.done $0x0;
	s15 =	sshll.u32 s14, $0xD  }
0x2d: {  	[sflag:s4] =	ssyncadd.s32 $0xFFFFE000;
	s18 =	sor.u32 $0x20, s15  }
0x2e: {  	s14 =	smul.u32 $0x8100, s14;
	v3 =	vld [tilespmem:s18+$0x10]  }
0x2f: {  	s30 =	sand.u32 $0x1, s11;
	v2 =	vld [tilespmem:s18+$0xFFFFFFF0]  }
0x30: {  	s15 =	smul.u32 $0x8100, s30;
	s14 =	sshrl.u32 s14, $0x2;
	v0 =	vld [tilespmem:s18+$0x0]  }
0x31: {  	v1 =	vld [tilespmem:s18+$0xFFFFFFE0];
	s16 =	sor.u32 $0x4000, s14  }
0x32: {  	s31 =	sshrl.u32 s15, $0x2;
	s15 =	sadd.s32 $0x0, s16  }
0x33: {  	s17 =	simm.s32 $0x4;
	s18 =	sadd.s32 $0x40, s18;
	s14 =	sor.u32 $0x4000, s31;
	[tilespmem:s15+$0x1830 ss:$0x81] =	vst.msk $0xffff, v3  }
.LBB1_3:
0x34: {  	v3 =	vld [tilespmem:s18+$0x10];
	p1 =	sne.s32 s17, $0x1FC;
	[tilespmem:s15+$0x810 ss:$0x81] =	vst.msk $0xffff, v2;
	s19 =	smov.u32 s17;
	s17 =	sadd.s32 $0x4, s17  }
.Ltmp3:
0x35: {  	v2 =	vld [tilespmem:s18+$0xFFFFFFF0];
	[tilespmem:s15+$0x1020 ss:$0x81] =	vst.msk $0xffff, v0;
	(pc) =	sbr.rel @p1 .LBB1_3-.Ltmp3, $4  }
0x36: {  	v0 =	vld [tilespmem:s18+$0x0];
	[tilespmem:s15+$0x0 ss:$0x81] =	vst.msk $0xffff, v1  }
0x37: {  	s15 =	sshra.s32 s19, $0x2;
	v1 =	vld [tilespmem:s18+$0xFFFFFFE0]  }
0x38: {  	s15 =	sadd.s32 s15, s16  }
0x39: {  	s18 =	sadd.s32 $0x40, s18;
	[tilespmem:s15+$0x1830 ss:$0x81] =	vst.msk $0xffff, v3  }
.Ltmp4:
0x3a: {  	_ = 	snop;
	(pc) =	sbr.rel .LBB1_4-.Ltmp4, $1  }
0x3b: {  	_ =	sdelay $0x3  }
.LBB1_6:
0x3c: {  	_ =	sfence.sel $0x180000  }
0x3d: {  	s2 =	simm.s32 $0x1;
	[bflag:$0x0] =	sbarrier.arrive $0xFFFF  }
0x3e: {  	s31 =	simm.s32 $0x2;
	[sflag:s2] =	ssyncpa.u1 $0x1  }
0x3f: {  	[sflag:s31] =	ssyncpa.u1 $0x1  }
0x40: {  	p0 =	sne.s32 s0, $0x0;
	_ =	strace $0x9000004A  }
0x41: {  	s0 =	sadd.s32 @!p0 $0x100000, s1;
	[bflag:$0x2] =	sbarrier.arrive $0xFFFF  }
0x42: {  	[sflag:s0] =	ssyncadd.tile.s32 @!p0 $0x1;
	_ =	shalt  }
.Lfunc_end1:
_tile_overlayer_lowered:
.L_overlay_start_2:
0x43: {  	(tag) =	ssettag $0x2  }
0x44: {  	s0 =	rddreg [dreg:$0x0];
	s2 =	stileid.u32  }
0x45: {  	s1 =	rddreg [dreg:$0x1];
	p0 =	sne.s32 s2, $0x0  }
0x46: {  	s3 =	rddreg [dreg:$0x2];
	[bflag:$0x3] =	sbarrier.arrive $0xFFFF;
	s2 =	simm.s32 @!p0 $0x1C01  }
0x47: {  	[timem:s3], [sflag:s2] =	dma.local @!p0 [hbm:s0], s1  }
0x48: {  	s0 =	simm.s32 @!p0 $0x1  }
0x49: {  	_ =	swait.ge @!p0 [sflag:s0], s1  }
0x4a: {  	s1 =	ssub.s32 @!p0 $0x0, s1;
	[sflag:s0] =	ssyncset.done @!p0 $0x0  }
0x4b: {  	[sflag:s0] =	ssyncadd.s32 @!p0 s1  }
0x4c: {  	[bflag:$0x3] =	sbarrier.arrive $0xFFFF  }
0x4d: {  	_ =	shalt  }

</sc_bundles>
